<compile_context>
chip_gen: v7x
topology: tpu7x:2x2x1
jax: 0.10.2.dev20260603
libtpu: 0.0.44.dev20260713+nightly
codegen_flags: <defaults>
</compile_context>

<pallas_src>
import functools

import jax
import jax.numpy as jnp
from jax import lax
from jax.experimental import pallas as pl
from jax.experimental.pallas import tpu as pltpu
from jax.experimental.pallas import tpu_sc as plsc

BATCH = 4096
SEQ_LEN = 200
PQ_M = 8
VALS_PER_DIM = 256
SUB_DIM = 16

N_TOK = BATCH * SEQ_LEN
NUM_ITEMS_PAD = 1000002
NUM_CORES = 2
NUM_SUBCORES = 16
NW = NUM_CORES * NUM_SUBCORES
TOK_PER_W = N_TOK // NW
CHUNK = 320
NCHUNK = TOK_PER_W // CHUNK
IDS_SLICES = CHUNK // 128
IDX_SLICES = PQ_M * CHUNK // 128


def _sc_body(ids_hbm, w0_hbm, w1_hbm, cent_hbm, out_hbm,
             cent_sp,
             ids_v0, ids_v1, codes_v0, codes_v1, cidx_v0, cidx_v1,
             out_v0, out_v1,
             sem_i0, sem_i1, sem_c0, sem_c1, sem_g0, sem_g1, sem_h0, sem_h1,
             sem_o0, sem_o1):
    ids_v = (ids_v0, ids_v1)
    codes_v = (codes_v0, codes_v1)
    cidx_v = (cidx_v0, cidx_v1)
    out_v = (out_v0, out_v1)
    sem_i = (sem_i0, sem_i1)
    sem_c = (sem_c0, sem_c1)
    sem_g = (sem_g0, sem_g1)
    sem_h = (sem_h0, sem_h1)
    sem_o = (sem_o0, sem_o1)

    wid = lax.axis_index("s") * NUM_CORES + lax.axis_index("c")
    iota = lax.iota(jnp.int32, 16)
    offv = (iota >> 3) + ((iota >> 2) & 1) * CHUNK
    shiftv = (iota & 3) * 8
    maddv = ((iota & 7) << 8) + (
        (lax.axis_index("s") & 3) * (PQ_M * VALS_PER_DIM))

    def ids_slice(g):
        return ids_hbm.at[pl.ds((wid * NCHUNK + g) * CHUNK, CHUNK)]

    def codes_copies(p):
        idx = ids_v[p]
        return (
            pltpu.make_async_copy(
                w0_hbm.at[idx], codes_v[p].at[pl.ds(0, CHUNK)], sem_c[p]),
            pltpu.make_async_copy(
                w1_hbm.at[idx], codes_v[p].at[pl.ds(CHUNK, CHUNK)], sem_c[p]),
        )

    def fire_codes(p):
        for cp in codes_copies(p):
            cp.start()

    def drain_codes(p):
        for cp in codes_copies(p):
            cp.wait()

    def unpack(p):
        def body(i, c):
            w = plsc.load_gather(codes_v[p], [2 * i + offv])
            cidx_v[p][pl.ds(i * 16, 16)] = ((w >> shiftv) & 255) + maddv
            return c

        lax.fori_loop(0, PQ_M * CHUNK // 16, body, 0)

    HALF = PQ_M * CHUNK // 2

    def cent_copy(p, half):
        sem = sem_g[p] if half == 0 else sem_h[p]
        return pltpu.make_async_copy(
            cent_sp.at[cidx_v[p].at[pl.ds(half * HALF, HALF)]],
            out_v[p].at[pl.ds(half * HALF, HALF)], sem)

    def out_copy(p, g, half):
        return pltpu.make_async_copy(
            out_v[p].at[pl.ds(half * HALF, HALF)],
            out_hbm.at[pl.ds((wid * NCHUNK + g) * CHUNK * PQ_M + half * HALF,
                             HALF)],
            sem_o[p])

    sid = lax.axis_index("s")
    for r in range(4):
        @pl.when(sid == r)
        def _stage_cent():
            pltpu.sync_copy(
                cent_hbm,
                cent_sp.at[pl.ds(r * PQ_M * VALS_PER_DIM, PQ_M * VALS_PER_DIM)])

    plsc.subcore_barrier()

    pltpu.sync_copy(ids_slice(0), ids_v[0])
    fire_codes(0)
    pltpu.make_async_copy(ids_slice(1), ids_v[1], sem_i[1]).start()

    def pair_body(h, carry):
        for p in (0, 1):
            g = 2 * h + p
            q = 1 - p

            @pl.when(g + 1 < NCHUNK)
            def _stage_next():
                pltpu.make_async_copy(
                    ids_slice(g + 1), ids_v[q], sem_i[q]).wait()
                fire_codes(q)

            @pl.when(g + 2 < NCHUNK)
            def _prefetch_ids():
                pltpu.make_async_copy(
                    ids_slice(g + 2), ids_v[p], sem_i[p]).start()

            drain_codes(p)
            unpack(p)

            @pl.when(g >= 2)
            def _free_out():
                out_copy(p, g - 2, 0).wait()
                out_copy(p, g - 2, 1).wait()

            cent_copy(p, 0).start()
            cent_copy(p, 1).start()
            cent_copy(p, 0).wait()
            out_copy(p, g, 0).start()
            cent_copy(p, 1).wait()
            out_copy(p, g, 1).start()
        return carry

    lax.fori_loop(0, NCHUNK // 2, pair_body, 0)

    out_copy(0, NCHUNK - 2, 0).wait()
    out_copy(0, NCHUNK - 2, 1).wait()
    out_copy(1, NCHUNK - 1, 0).wait()
    out_copy(1, NCHUNK - 1, 1).wait()


@functools.partial(jax.jit)
def kernel(input_ids, item_codes, centroids):
    ids = input_ids.reshape(N_TOK)
    c = item_codes.astype(jnp.int32)
    w0 = c[:, 0] | (c[:, 1] << 8) | (c[:, 2] << 16) | (c[:, 3] << 24)
    w1 = c[:, 4] | (c[:, 5] << 8) | (c[:, 6] << 16) | (c[:, 7] << 24)
    cent = centroids.reshape(PQ_M * VALS_PER_DIM, SUB_DIM)

    call = pl.kernel(
        _sc_body,
        out_type=jax.ShapeDtypeStruct((N_TOK * PQ_M, SUB_DIM), jnp.float32),
        mesh=plsc.VectorSubcoreMesh(core_axis_name="c", subcore_axis_name="s"),
        compiler_params=pltpu.CompilerParams(
            needs_layout_passes=False, use_tc_tiling_on_sc=False),
        scratch_types=(
            [pltpu.VMEM_SHARED((4 * PQ_M * VALS_PER_DIM, SUB_DIM), jnp.float32)]
            + [pltpu.VMEM((CHUNK,), jnp.int32)] * 2
            + [pltpu.VMEM((2 * CHUNK,), jnp.int32)] * 2
            + [pltpu.VMEM((PQ_M * CHUNK,), jnp.int32)] * 2
            + [pltpu.VMEM((PQ_M * CHUNK, SUB_DIM), jnp.float32)] * 2
            + [pltpu.SemaphoreType.DMA] * 10
        ),
    )
    out = call(ids, w0, w1, cent)
    return out.reshape(BATCH, SEQ_LEN, PQ_M * SUB_DIM)

# --- scband reference (transcript-rebuilt; emitter-appended) ---
"""Pipeline reference for scband-item-code-layer-39779987096003 (READ-ONLY COPY).

The authoritative reference and input builder live on the scoring server;
editing this copy changes nothing except your own understanding.
"""

import jax, jax.numpy as jnp
import numpy as np

BATCH = 4096
SEQ_LEN = 200
NUM_ITEMS = 1000000
PQ_M = 8
VALS_PER_DIM = 256
SUB_DIM = 16  # embedding_size 128 // pq_m 8


def setup_inputs(seed: int = 0) -> dict:
    key = jax.random.key(seed)
    k_ids, k_codes, k_cent = jax.random.split(key, 3)
    input_ids = jax.random.randint(k_ids, (BATCH, SEQ_LEN), 0, NUM_ITEMS, dtype=jnp.int32)
    # item_codes buffer: (num_items + 2, pq_m) uint8 codes (populated via assign_codes in training;
    # randomized here for a realistic gather pattern)
    item_codes = jax.random.randint(k_codes, (NUM_ITEMS + 2, PQ_M), 0, VALS_PER_DIM, dtype=jnp.int32).astype(jnp.uint8)
    # centroids parameter: uniform(-0.05, 0.05) as in nn.init.uniform_
    centroids = jax.random.uniform(k_cent, (PQ_M, VALS_PER_DIM, SUB_DIM), dtype=jnp.float32, minval=-0.05, maxval=0.05)
    return {"input_ids": input_ids, "item_codes": item_codes, "centroids": centroids}


def reference(input_ids, item_codes, centroids):
    # input_codes = self.item_codes[input_ids.long()].long().detach()
    input_codes = jnp.take(item_codes, input_ids, axis=0).astype(jnp.int32)  # [B, L, pq_m]
    sub_embeddings = []
    for dim_idx in range(PQ_M):
        # F.embedding(input_codes[..., dim_idx], self.centroids[dim_idx])
        sub = jnp.take(centroids[dim_idx], input_codes[..., dim_idx], axis=0)  # [B, L, sub_dim]
        sub_embeddings.append(sub)
    return jnp.concatenate(sub_embeddings, axis=-1)  # [B, L, embedding_size]

if __name__ == "__main__":
    import jax
    _d = setup_inputs()
    print(jax.jit(kernel)(*tuple(_d.values())))

</pallas_src>

<mosaic_0001>
#map = affine_map<(d0, d1) -> (0)>
#map1 = affine_map<(d0, d1) -> (0, 0)>
module attributes {stable_mosaic.version = 14 : i64} {
  func.func @_sc_body(%arg0: i32, %arg1: i32, %arg2: memref<819200xi32, #tpu.memory_space<hbm>>, %arg3: memref<1000002xi32, #tpu.memory_space<hbm>>, %arg4: memref<1000002xi32, #tpu.memory_space<hbm>>, %arg5: memref<2048x16xf32, #tpu.memory_space<hbm>>, %arg6: memref<6553600x16xf32, #tpu.memory_space<hbm>>, %arg7: memref<8192x16xf32, #tpu.memory_space<vmem_shared>>, %arg8: memref<320xi32, #tpu.memory_space<vmem>>, %arg9: memref<320xi32, #tpu.memory_space<vmem>>, %arg10: memref<640xi32, #tpu.memory_space<vmem>>, %arg11: memref<640xi32, #tpu.memory_space<vmem>>, %arg12: memref<2560xi32, #tpu.memory_space<vmem>>, %arg13: memref<2560xi32, #tpu.memory_space<vmem>>, %arg14: memref<2560x16xf32, #tpu.memory_space<vmem>>, %arg15: memref<2560x16xf32, #tpu.memory_space<vmem>>, %arg16: memref<!tpu.dma_semaphore, #tpu.memory_space<semaphore_mem>>, %arg17: memref<!tpu.dma_semaphore, #tpu.memory_space<semaphore_mem>>, %arg18: memref<!tpu.dma_semaphore, #tpu.memory_space<semaphore_mem>>, %arg19: memref<!tpu.dma_semaphore, #tpu.memory_space<semaphore_mem>>, %arg20: memref<!tpu.dma_semaphore, #tpu.memory_space<semaphore_mem>>, %arg21: memref<!tpu.dma_semaphore, #tpu.memory_space<semaphore_mem>>, %arg22: memref<!tpu.dma_semaphore, #tpu.memory_space<semaphore_mem>>, %arg23: memref<!tpu.dma_semaphore, #tpu.memory_space<semaphore_mem>>, %arg24: memref<!tpu.dma_semaphore, #tpu.memory_space<semaphore_mem>>, %arg25: memref<!tpu.dma_semaphore, #tpu.memory_space<semaphore_mem>>) attributes {dimension_semantics = [#tpu.dimension_semantics<core_parallel>, #tpu.dimension_semantics<subcore_parallel>], iteration_bounds = array<i64: 2, 16>, scalar_prefetch = 0 : i64, scratch_operands = 19 : i64, tpu.core_type = #tpu.core_type<sc_vector_subcore>, window_params = [{transform_indices = #map}, {transform_indices = #map}, {transform_indices = #map}, {transform_indices = #map1}, {transform_indices = #map1}]} {
    %mul3A = arith.constant 2 : i32
    %mul3A_0 = arith.muli %arg1, %mul3A : i32
    %add3A = arith.addi %mul3A_0, %arg0 : i32
    %iota3A = tpu.iota {dimensions = array<i32: 0>} : vector<16xi32>
    %shift_right_arithmetic3A = arith.constant 3 : i32
    %shift_right_arithmetic3A_1 = vector.broadcast %shift_right_arithmetic3A : i32 to vector<16xi32>
    %shift_right_arithmetic3A_2 = arith.shrsi %iota3A, %shift_right_arithmetic3A_1 : vector<16xi32>
    %shift_right_arithmetic3A_3 = arith.constant 2 : i32
    %shift_right_arithmetic3A_4 = vector.broadcast %shift_right_arithmetic3A_3 : i32 to vector<16xi32>
    %shift_right_arithmetic3A_5 = arith.shrsi %iota3A, %shift_right_arithmetic3A_4 : vector<16xi32>
    %and3A = arith.constant 1 : i32
    %and3A_6 = vector.broadcast %and3A : i32 to vector<16xi32>
    %and3A_7 = arith.andi %shift_right_arithmetic3A_5, %and3A_6 : vector<16xi32>
    %mul3A_8 = arith.constant 320 : i32
    %mul3A_9 = vector.broadcast %mul3A_8 : i32 to vector<16xi32>
    %mul3A_10 = arith.muli %and3A_7, %mul3A_9 : vector<16xi32>
    %add3A_11 = arith.addi %shift_right_arithmetic3A_2, %mul3A_10 : vector<16xi32>
    %and3A_12 = arith.constant 3 : i32
    %and3A_13 = vector.broadcast %and3A_12 : i32 to vector<16xi32>
    %and3A_14 = arith.andi %iota3A, %and3A_13 : vector<16xi32>
    %mul3A_15 = arith.constant 8 : i32
    %mul3A_16 = vector.broadcast %mul3A_15 : i32 to vector<16xi32>
    %mul3A_17 = arith.muli %and3A_14, %mul3A_16 : vector<16xi32>
    %and3A_18 = arith.constant 7 : i32
    %and3A_19 = vector.broadcast %and3A_18 : i32 to vector<16xi32>
    %and3A_20 = arith.andi %iota3A, %and3A_19 : vector<16xi32>
    %shift_left3A = arith.constant 8 : i32
    %shift_left3A_21 = vector.broadcast %shift_left3A : i32 to vector<16xi32>
    %shift_left3A_22 = arith.shli %and3A_20, %shift_left3A_21 : vector<16xi32>
    %and3A_23 = arith.constant 3 : i32
    %and3A_24 = arith.andi %arg1, %and3A_23 : i32
    %mul3A_25 = arith.constant 2048 : i32
    %mul3A_26 = arith.muli %and3A_24, %mul3A_25 : i32
    %add3A_27 = vector.broadcast %mul3A_26 : i32 to vector<16xi32>
    %add3A_28 = arith.addi %shift_left3A_22, %add3A_27 : vector<16xi32>
    %eq3A = arith.constant 0 : i32
    %eq3A_29 = arith.cmpi eq, %arg1, %eq3A : i32
    %convert_element_type3A = arith.extui %eq3A_29 : i1 to i32
    %cond3A = arith.constant 0 : i32
    %cond3A_30 = arith.cmpi ne, %convert_element_type3A, %cond3A : i32
    scf.if %cond3A_30 {
      "tpu.region"() ({
        %run_scoped3A = tpu.sem_alloc : memref<!tpu.dma_semaphore, #tpu.memory_space<semaphore_mem>>
        %dma_start3A_151 = arith.constant 0 : i32
        %dma_start3A_152 = arith.constant 0 : i32
        %dma_start3A_153 = tpu.memref_slice %arg7[%dma_start3A_151, %dma_start3A_152] : memref<8192x16xf32, #tpu.memory_space<vmem_shared>> -> memref<2048x16xf32, #tpu.memory_space<vmem_shared>>
        tpu.enqueue_dma source(%arg5 : memref<2048x16xf32, #tpu.memory_space<hbm>>) target(%dma_start3A_153 : memref<2048x16xf32, #tpu.memory_space<vmem_shared>>) target_semaphore(%run_scoped3A : memref<!tpu.dma_semaphore, #tpu.memory_space<semaphore_mem>>)
        %dma_wait3A_154 = arith.constant 0 : i32
        %dma_wait3A_155 = arith.constant 0 : i32
        %dma_wait3A_156 = tpu.memref_slice %arg7[%dma_wait3A_154, %dma_wait3A_155] : memref<8192x16xf32, #tpu.memory_space<vmem_shared>> -> memref<2048x16xf32, #tpu.memory_space<vmem_shared>>
        tpu.wait_dma2 semaphore(%run_scoped3A : memref<!tpu.dma_semaphore, #tpu.memory_space<semaphore_mem>>) src(%arg5 : memref<2048x16xf32, #tpu.memory_space<hbm>>) dst(%dma_wait3A_156 : memref<2048x16xf32, #tpu.memory_space<vmem_shared>>)
        tpu.yield
      }) : () -> ()
    } else {
    }
    %eq3A_31 = arith.constant 1 : i32
    %eq3A_32 = arith.cmpi eq, %arg1, %eq3A_31 : i32
    %convert_element_type3A_33 = arith.extui %eq3A_32 : i1 to i32
    %cond3A_34 = arith.constant 0 : i32
    %cond3A_35 = arith.cmpi ne, %convert_element_type3A_33, %cond3A_34 : i32
    scf.if %cond3A_35 {
      "tpu.region"() ({
        %run_scoped3A = tpu.sem_alloc : memref<!tpu.dma_semaphore, #tpu.memory_space<semaphore_mem>>
        %dma_start3A_151 = arith.constant 2048 : i32
        %dma_start3A_152 = arith.constant 0 : i32
        %dma_start3A_153 = tpu.memref_slice %arg7[%dma_start3A_151, %dma_start3A_152] : memref<8192x16xf32, #tpu.memory_space<vmem_shared>> -> memref<2048x16xf32, #tpu.memory_space<vmem_shared>>
        tpu.enqueue_dma source(%arg5 : memref<2048x16xf32, #tpu.memory_space<hbm>>) target(%dma_start3A_153 : memref<2048x16xf32, #tpu.memory_space<vmem_shared>>) target_semaphore(%run_scoped3A : memref<!tpu.dma_semaphore, #tpu.memory_space<semaphore_mem>>)
        %dma_wait3A_154 = arith.constant 2048 : i32
        %dma_wait3A_155 = arith.constant 0 : i32
        %dma_wait3A_156 = tpu.memref_slice %arg7[%dma_wait3A_154, %dma_wait3A_155] : memref<8192x16xf32, #tpu.memory_space<vmem_shared>> -> memref<2048x16xf32, #tpu.memory_space<vmem_shared>>
        tpu.wait_dma2 semaphore(%run_scoped3A : memref<!tpu.dma_semaphore, #tpu.memory_space<semaphore_mem>>) src(%arg5 : memref<2048x16xf32, #tpu.memory_space<hbm>>) dst(%dma_wait3A_156 : memref<2048x16xf32, #tpu.memory_space<vmem_shared>>)
        tpu.yield
      }) : () -> ()
    } else {
    }
    %eq3A_36 = arith.constant 2 : i32
    %eq3A_37 = arith.cmpi eq, %arg1, %eq3A_36 : i32
    %convert_element_type3A_38 = arith.extui %eq3A_37 : i1 to i32
    %cond3A_39 = arith.constant 0 : i32
    %cond3A_40 = arith.cmpi ne, %convert_element_type3A_38, %cond3A_39 : i32
    scf.if %cond3A_40 {
      "tpu.region"() ({
        %run_scoped3A = tpu.sem_alloc : memref<!tpu.dma_semaphore, #tpu.memory_space<semaphore_mem>>
        %dma_start3A_151 = arith.constant 4096 : i32
        %dma_start3A_152 = arith.constant 0 : i32
        %dma_start3A_153 = tpu.memref_slice %arg7[%dma_start3A_151, %dma_start3A_152] : memref<8192x16xf32, #tpu.memory_space<vmem_shared>> -> memref<2048x16xf32, #tpu.memory_space<vmem_shared>>
        tpu.enqueue_dma source(%arg5 : memref<2048x16xf32, #tpu.memory_space<hbm>>) target(%dma_start3A_153 : memref<2048x16xf32, #tpu.memory_space<vmem_shared>>) target_semaphore(%run_scoped3A : memref<!tpu.dma_semaphore, #tpu.memory_space<semaphore_mem>>)
        %dma_wait3A_154 = arith.constant 4096 : i32
        %dma_wait3A_155 = arith.constant 0 : i32
        %dma_wait3A_156 = tpu.memref_slice %arg7[%dma_wait3A_154, %dma_wait3A_155] : memref<8192x16xf32, #tpu.memory_space<vmem_shared>> -> memref<2048x16xf32, #tpu.memory_space<vmem_shared>>
        tpu.wait_dma2 semaphore(%run_scoped3A : memref<!tpu.dma_semaphore, #tpu.memory_space<semaphore_mem>>) src(%arg5 : memref<2048x16xf32, #tpu.memory_space<hbm>>) dst(%dma_wait3A_156 : memref<2048x16xf32, #tpu.memory_space<vmem_shared>>)
        tpu.yield
      }) : () -> ()
    } else {
    }
    %eq3A_41 = arith.constant 3 : i32
    %eq3A_42 = arith.cmpi eq, %arg1, %eq3A_41 : i32
    %convert_element_type3A_43 = arith.extui %eq3A_42 : i1 to i32
    %cond3A_44 = arith.constant 0 : i32
    %cond3A_45 = arith.cmpi ne, %convert_element_type3A_43, %cond3A_44 : i32
    scf.if %cond3A_45 {
      "tpu.region"() ({
        %run_scoped3A = tpu.sem_alloc : memref<!tpu.dma_semaphore, #tpu.memory_space<semaphore_mem>>
        %dma_start3A_151 = arith.constant 6144 : i32
        %dma_start3A_152 = arith.constant 0 : i32
        %dma_start3A_153 = tpu.memref_slice %arg7[%dma_start3A_151, %dma_start3A_152] : memref<8192x16xf32, #tpu.memory_space<vmem_shared>> -> memref<2048x16xf32, #tpu.memory_space<vmem_shared>>
        tpu.enqueue_dma source(%arg5 : memref<2048x16xf32, #tpu.memory_space<hbm>>) target(%dma_start3A_153 : memref<2048x16xf32, #tpu.memory_space<vmem_shared>>) target_semaphore(%run_scoped3A : memref<!tpu.dma_semaphore, #tpu.memory_space<semaphore_mem>>)
        %dma_wait3A_154 = arith.constant 6144 : i32
        %dma_wait3A_155 = arith.constant 0 : i32
        %dma_wait3A_156 = tpu.memref_slice %arg7[%dma_wait3A_154, %dma_wait3A_155] : memref<8192x16xf32, #tpu.memory_space<vmem_shared>> -> memref<2048x16xf32, #tpu.memory_space<vmem_shared>>
        tpu.wait_dma2 semaphore(%run_scoped3A : memref<!tpu.dma_semaphore, #tpu.memory_space<semaphore_mem>>) src(%arg5 : memref<2048x16xf32, #tpu.memory_space<hbm>>) dst(%dma_wait3A_156 : memref<2048x16xf32, #tpu.memory_space<vmem_shared>>)
        tpu.yield
      }) : () -> ()
    } else {
    }
    %barrier3A = arith.constant 0 : index
    tpu.barrier barrier_id(%barrier3A)
    %mul3A_46 = arith.constant 80 : i32
    %mul3A_47 = arith.muli %add3A, %mul3A_46 : i32
    %add3A_48 = arith.constant 0 : i32
    %add3A_49 = arith.addi %mul3A_47, %add3A_48 : i32
    %mul3A_50 = arith.constant 320 : i32
    %mul3A_51 = arith.muli %add3A_49, %mul3A_50 : i32
    "tpu.region"() ({
      %run_scoped3A = tpu.sem_alloc : memref<!tpu.dma_semaphore, #tpu.memory_space<semaphore_mem>>
      %dma_start3A_151 = tpu.memref_slice %arg2[%mul3A_51] : memref<819200xi32, #tpu.memory_space<hbm>> -> memref<320xi32, #tpu.memory_space<hbm>>
      %dma_start3A_152 = tpu.memref_slice %arg2[%mul3A_51] : memref<819200xi32, #tpu.memory_space<hbm>> -> memref<320xi32, #tpu.memory_space<hbm>>
      tpu.enqueue_dma source(%dma_start3A_152 : memref<320xi32, #tpu.memory_space<hbm>>) target(%arg8 : memref<320xi32, #tpu.memory_space<vmem>>) target_semaphore(%run_scoped3A : memref<!tpu.dma_semaphore, #tpu.memory_space<semaphore_mem>>)
      %dma_wait3A_153 = tpu.memref_slice %arg2[%mul3A_51] : memref<819200xi32, #tpu.memory_space<hbm>> -> memref<320xi32, #tpu.memory_space<hbm>>
      %dma_wait3A_154 = tpu.memref_slice %arg2[%mul3A_51] : memref<819200xi32, #tpu.memory_space<hbm>> -> memref<320xi32, #tpu.memory_space<hbm>>
      tpu.wait_dma2 semaphore(%run_scoped3A : memref<!tpu.dma_semaphore, #tpu.memory_space<semaphore_mem>>) src(%dma_wait3A_154 : memref<320xi32, #tpu.memory_space<hbm>>) dst(%arg8 : memref<320xi32, #tpu.memory_space<vmem>>)
      tpu.yield
    }) : () -> ()
    %dma_start3A = arith.constant 0 : i32
    %dma_start3A_52 = tpu.memref_slice %arg10[%dma_start3A] : memref<640xi32, #tpu.memory_space<vmem>> -> memref<320xi32, #tpu.memory_space<vmem>>
    %dma_start3A_53 = arith.constant 0 : i32
    %dma_start3A_54 = tpu.memref_slice %arg3[%dma_start3A_53] : memref<1000002xi32, #tpu.memory_space<hbm>> -> memref<1000002xi32, #tpu.memory_space<hbm>>
    tpu.enqueue_indirect_dma source(%dma_start3A_54 : memref<1000002xi32, #tpu.memory_space<hbm>>) target(%dma_start3A_52 : memref<320xi32, #tpu.memory_space<vmem>>) offsets(%arg8 : memref<320xi32, #tpu.memory_space<vmem>>) semaphore(%arg18 : memref<!tpu.dma_semaphore, #tpu.memory_space<semaphore_mem>>)
    %dma_start3A_55 = arith.constant 320 : i32
    %dma_start3A_56 = tpu.memref_slice %arg10[%dma_start3A_55] : memref<640xi32, #tpu.memory_space<vmem>> -> memref<320xi32, #tpu.memory_space<vmem>>
    %dma_start3A_57 = arith.constant 0 : i32
    %dma_start3A_58 = tpu.memref_slice %arg4[%dma_start3A_57] : memref<1000002xi32, #tpu.memory_space<hbm>> -> memref<1000002xi32, #tpu.memory_space<hbm>>
    tpu.enqueue_indirect_dma source(%dma_start3A_58 : memref<1000002xi32, #tpu.memory_space<hbm>>) target(%dma_start3A_56 : memref<320xi32, #tpu.memory_space<vmem>>) offsets(%arg8 : memref<320xi32, #tpu.memory_space<vmem>>) semaphore(%arg18 : memref<!tpu.dma_semaphore, #tpu.memory_space<semaphore_mem>>)
    %mul3A_59 = arith.constant 80 : i32
    %mul3A_60 = arith.muli %add3A, %mul3A_59 : i32
    %add3A_61 = arith.constant 1 : i32
    %add3A_62 = arith.addi %mul3A_60, %add3A_61 : i32
    %mul3A_63 = arith.constant 320 : i32
    %mul3A_64 = arith.muli %add3A_62, %mul3A_63 : i32
    %dma_start3A_65 = tpu.memref_slice %arg2[%mul3A_64] : memref<819200xi32, #tpu.memory_space<hbm>> -> memref<320xi32, #tpu.memory_space<hbm>>
    %dma_start3A_66 = tpu.memref_slice %arg2[%mul3A_64] : memref<819200xi32, #tpu.memory_space<hbm>> -> memref<320xi32, #tpu.memory_space<hbm>>
    tpu.enqueue_dma source(%dma_start3A_66 : memref<320xi32, #tpu.memory_space<hbm>>) target(%arg9 : memref<320xi32, #tpu.memory_space<vmem>>) target_semaphore(%arg17 : memref<!tpu.dma_semaphore, #tpu.memory_space<semaphore_mem>>)
    %scan3A = arith.constant 0 : i32
    %scan3A_67 = arith.constant 0 : i32
    %scan3A_68 = arith.constant 40 : i32
    %scan3A_69 = arith.addi %scan3A_67, %scan3A_68 : i32
    %scan3A_70 = arith.constant 1 : i32
    scf.for %scan3A_151 = %scan3A_67 to %scan3A_69 step %scan3A_70  : i32 {
      %mul3A_152 = arith.constant 2 : i32
      %mul3A_153 = arith.muli %mul3A_152, %scan3A_151 : i32
      %add3A_154 = arith.constant 0 : i32
      %add3A_155 = arith.addi %mul3A_153, %add3A_154 : i32
      %add3A_156 = arith.constant 1 : i32
      %add3A_157 = arith.addi %add3A_155, %add3A_156 : i32
      %lt3A = arith.constant 80 : i32
      %lt3A_158 = arith.cmpi slt, %add3A_157, %lt3A : i32
      %convert_element_type3A_159 = arith.extui %lt3A_158 : i1 to i32
      %cond3A_160 = arith.constant 0 : i32
      %cond3A_161 = arith.cmpi ne, %convert_element_type3A_159, %cond3A_160 : i32
      scf.if %cond3A_161 {
        %add3A_364 = arith.constant 1 : i32
        %add3A_365 = arith.addi %add3A_155, %add3A_364 : i32
        %mul3A_366 = arith.constant 80 : i32
        %mul3A_367 = arith.muli %add3A, %mul3A_366 : i32
        %add3A_368 = arith.addi %mul3A_367, %add3A_365 : i32
        %mul3A_369 = arith.constant 320 : i32
        %mul3A_370 = arith.muli %add3A_368, %mul3A_369 : i32
        %dma_wait3A_371 = tpu.memref_slice %arg2[%mul3A_370] : memref<819200xi32, #tpu.memory_space<hbm>> -> memref<320xi32, #tpu.memory_space<hbm>>
        %dma_wait3A_372 = tpu.memref_slice %arg2[%mul3A_370] : memref<819200xi32, #tpu.memory_space<hbm>> -> memref<320xi32, #tpu.memory_space<hbm>>
        tpu.wait_dma2 semaphore(%arg17 : memref<!tpu.dma_semaphore, #tpu.memory_space<semaphore_mem>>) src(%dma_wait3A_372 : memref<320xi32, #tpu.memory_space<hbm>>) dst(%arg9 : memref<320xi32, #tpu.memory_space<vmem>>)
        %dma_start3A_373 = arith.constant 0 : i32
        %dma_start3A_374 = tpu.memref_slice %arg11[%dma_start3A_373] : memref<640xi32, #tpu.memory_space<vmem>> -> memref<320xi32, #tpu.memory_space<vmem>>
        %dma_start3A_375 = arith.constant 0 : i32
        %dma_start3A_376 = tpu.memref_slice %arg3[%dma_start3A_375] : memref<1000002xi32, #tpu.memory_space<hbm>> -> memref<1000002xi32, #tpu.memory_space<hbm>>
        tpu.enqueue_indirect_dma source(%dma_start3A_376 : memref<1000002xi32, #tpu.memory_space<hbm>>) target(%dma_start3A_374 : memref<320xi32, #tpu.memory_space<vmem>>) offsets(%arg9 : memref<320xi32, #tpu.memory_space<vmem>>) semaphore(%arg19 : memref<!tpu.dma_semaphore, #tpu.memory_space<semaphore_mem>>)
        %dma_start3A_377 = arith.constant 320 : i32
        %dma_start3A_378 = tpu.memref_slice %arg11[%dma_start3A_377] : memref<640xi32, #tpu.memory_space<vmem>> -> memref<320xi32, #tpu.memory_space<vmem>>
        %dma_start3A_379 = arith.constant 0 : i32
        %dma_start3A_380 = tpu.memref_slice %arg4[%dma_start3A_379] : memref<1000002xi32, #tpu.memory_space<hbm>> -> memref<1000002xi32, #tpu.memory_space<hbm>>
        tpu.enqueue_indirect_dma source(%dma_start3A_380 : memref<1000002xi32, #tpu.memory_space<hbm>>) target(%dma_start3A_378 : memref<320xi32, #tpu.memory_space<vmem>>) offsets(%arg9 : memref<320xi32, #tpu.memory_space<vmem>>) semaphore(%arg19 : memref<!tpu.dma_semaphore, #tpu.memory_space<semaphore_mem>>)
      } else {
      }
      %add3A_162 = arith.constant 2 : i32
      %add3A_163 = arith.addi %add3A_155, %add3A_162 : i32
      %lt3A_164 = arith.constant 80 : i32
      %lt3A_165 = arith.cmpi slt, %add3A_163, %lt3A_164 : i32
      %convert_element_type3A_166 = arith.extui %lt3A_165 : i1 to i32
      %cond3A_167 = arith.constant 0 : i32
      %cond3A_168 = arith.cmpi ne, %convert_element_type3A_166, %cond3A_167 : i32
      scf.if %cond3A_168 {
        %add3A_364 = arith.constant 2 : i32
        %add3A_365 = arith.addi %add3A_155, %add3A_364 : i32
        %mul3A_366 = arith.constant 80 : i32
        %mul3A_367 = arith.muli %add3A, %mul3A_366 : i32
        %add3A_368 = arith.addi %mul3A_367, %add3A_365 : i32
        %mul3A_369 = arith.constant 320 : i32
        %mul3A_370 = arith.muli %add3A_368, %mul3A_369 : i32
        %dma_start3A_371 = tpu.memref_slice %arg2[%mul3A_370] : memref<819200xi32, #tpu.memory_space<hbm>> -> memref<320xi32, #tpu.memory_space<hbm>>
        %dma_start3A_372 = tpu.memref_slice %arg2[%mul3A_370] : memref<819200xi32, #tpu.memory_space<hbm>> -> memref<320xi32, #tpu.memory_space<hbm>>
        tpu.enqueue_dma source(%dma_start3A_372 : memref<320xi32, #tpu.memory_space<hbm>>) target(%arg8 : memref<320xi32, #tpu.memory_space<vmem>>) target_semaphore(%arg16 : memref<!tpu.dma_semaphore, #tpu.memory_space<semaphore_mem>>)
      } else {
      }
      %dma_wait3A_169 = arith.constant 0 : i32
      %dma_wait3A_170 = tpu.memref_slice %arg10[%dma_wait3A_169] : memref<640xi32, #tpu.memory_space<vmem>> -> memref<320xi32, #tpu.memory_space<vmem>>
      %dma_wait3A_171 = arith.constant 0 : i32
      %dma_wait3A_172 = tpu.memref_slice %arg3[%dma_wait3A_171] : memref<1000002xi32, #tpu.memory_space<hbm>> -> memref<1000002xi32, #tpu.memory_space<hbm>>
      tpu.wait_indirect_dma semaphore(%arg18 : memref<!tpu.dma_semaphore, #tpu.memory_space<semaphore_mem>>) src(%dma_wait3A_172 : memref<1000002xi32, #tpu.memory_space<hbm>>) dst(%dma_wait3A_170 : memref<320xi32, #tpu.memory_space<vmem>>)
      %dma_wait3A_173 = arith.constant 320 : i32
      %dma_wait3A_174 = tpu.memref_slice %arg10[%dma_wait3A_173] : memref<640xi32, #tpu.memory_space<vmem>> -> memref<320xi32, #tpu.memory_space<vmem>>
      %dma_wait3A_175 = arith.constant 0 : i32
      %dma_wait3A_176 = tpu.memref_slice %arg4[%dma_wait3A_175] : memref<1000002xi32, #tpu.memory_space<hbm>> -> memref<1000002xi32, #tpu.memory_space<hbm>>
      tpu.wait_indirect_dma semaphore(%arg18 : memref<!tpu.dma_semaphore, #tpu.memory_space<semaphore_mem>>) src(%dma_wait3A_176 : memref<1000002xi32, #tpu.memory_space<hbm>>) dst(%dma_wait3A_174 : memref<320xi32, #tpu.memory_space<vmem>>)
      %scan3A_177 = arith.constant 0 : i32
      %scan3A_178 = arith.constant 0 : i32
      %scan3A_179 = arith.constant 160 : i32
      %scan3A_180 = arith.addi %scan3A_178, %scan3A_179 : i32
      %scan3A_181 = arith.constant 1 : i32
      scf.for %scan3A_364 = %scan3A_178 to %scan3A_180 step %scan3A_181  : i32 {
        %mul3A_365 = arith.constant 2 : i32
        %mul3A_366 = arith.muli %mul3A_365, %scan3A_364 : i32
        %add3A_367 = vector.broadcast %mul3A_366 : i32 to vector<16xi32>
        %add3A_368 = arith.addi %add3A_367, %add3A_11 : vector<16xi32>
        %gather3A = tpu.vector_load_idx %arg10[%add3A_368] : memref<640xi32, #tpu.memory_space<vmem>>[vector<16xi32>], vector<16xi32>,
        %shift_right_arithmetic3A_369 = arith.shrsi %gather3A, %mul3A_17 : vector<16xi32>
        %and3A_370 = arith.constant 255 : i32
        %and3A_371 = vector.broadcast %and3A_370 : i32 to vector<16xi32>
        %and3A_372 = arith.andi %shift_right_arithmetic3A_369, %and3A_371 : vector<16xi32>
        %add3A_373 = arith.addi %and3A_372, %add3A_28 : vector<16xi32>
        %mul3A_374 = arith.constant 16 : i32
        %mul3A_375 = arith.muli %scan3A_364, %mul3A_374 : i32
        %swap3A = arith.index_cast %mul3A_375 : i32 to index
        %swap3A_376 = tpu.vector_load %arg12[%swap3A] {strides = array<i32>} : memref<2560xi32, #tpu.memory_space<vmem>>, vector<16xi32>,
        tpu.vector_store %arg12[%swap3A], %add3A_373 {strides = array<i32>} : memref<2560xi32, #tpu.memory_space<vmem>>, vector<16xi32>,
      }
      %scan3A_182 = arith.constant 160 : i32
      %ge3A = arith.constant 2 : i32
      %ge3A_183 = arith.cmpi sge, %add3A_155, %ge3A : i32
      %convert_element_type3A_184 = arith.extui %ge3A_183 : i1 to i32
      %cond3A_185 = arith.constant 0 : i32
      %cond3A_186 = arith.cmpi ne, %convert_element_type3A_184, %cond3A_185 : i32
      scf.if %cond3A_186 {
        %sub3A = arith.constant 2 : i32
        %sub3A_364 = arith.subi %add3A_155, %sub3A : i32
        %mul3A_365 = arith.constant 80 : i32
        %mul3A_366 = arith.muli %add3A, %mul3A_365 : i32
        %add3A_367 = arith.addi %mul3A_366, %sub3A_364 : i32
        %mul3A_368 = arith.constant 320 : i32
        %mul3A_369 = arith.muli %add3A_367, %mul3A_368 : i32
        %mul3A_370 = arith.constant 8 : i32
        %mul3A_371 = arith.muli %mul3A_369, %mul3A_370 : i32
        %add3A_372 = arith.constant 0 : i32
        %add3A_373 = arith.addi %mul3A_371, %add3A_372 : i32
        %dma_wait3A_374 = arith.constant 0 : i32
        %dma_wait3A_375 = arith.constant 0 : i32
        %dma_wait3A_376 = tpu.memref_slice %arg14[%dma_wait3A_374, %dma_wait3A_375] : memref<2560x16xf32, #tpu.memory_space<vmem>> -> memref<1280x16xf32, #tpu.memory_space<vmem>>
        %dma_wait3A_377 = arith.constant 0 : i32
        %dma_wait3A_378 = tpu.memref_slice %arg6[%add3A_373, %dma_wait3A_377] : memref<6553600x16xf32, #tpu.memory_space<hbm>> -> memref<1280x16xf32, #tpu.memory_space<hbm>>
        %dma_wait3A_379 = arith.constant 0 : i32
        %dma_wait3A_380 = tpu.memref_slice %arg6[%add3A_373, %dma_wait3A_379] : memref<6553600x16xf32, #tpu.memory_space<hbm>> -> memref<1280x16xf32, #tpu.memory_space<hbm>>
        %dma_wait3A_381 = arith.constant 0 : i32
        %dma_wait3A_382 = arith.constant 0 : i32
        %dma_wait3A_383 = tpu.memref_slice %arg14[%dma_wait3A_381, %dma_wait3A_382] : memref<2560x16xf32, #tpu.memory_space<vmem>> -> memref<1280x16xf32, #tpu.memory_space<vmem>>
        tpu.wait_dma2 semaphore(%arg24 : memref<!tpu.dma_semaphore, #tpu.memory_space<semaphore_mem>>) src(%dma_wait3A_383 : memref<1280x16xf32, #tpu.memory_space<vmem>>) dst(%dma_wait3A_380 : memref<1280x16xf32, #tpu.memory_space<hbm>>)
        %sub3A_384 = arith.constant 2 : i32
        %sub3A_385 = arith.subi %add3A_155, %sub3A_384 : i32
        %mul3A_386 = arith.constant 80 : i32
        %mul3A_387 = arith.muli %add3A, %mul3A_386 : i32
        %add3A_388 = arith.addi %mul3A_387, %sub3A_385 : i32
        %mul3A_389 = arith.constant 320 : i32
        %mul3A_390 = arith.muli %add3A_388, %mul3A_389 : i32
        %mul3A_391 = arith.constant 8 : i32
        %mul3A_392 = arith.muli %mul3A_390, %mul3A_391 : i32
        %add3A_393 = arith.constant 1280 : i32
        %add3A_394 = arith.addi %mul3A_392, %add3A_393 : i32
        %dma_wait3A_395 = arith.constant 1280 : i32
        %dma_wait3A_396 = arith.constant 0 : i32
        %dma_wait3A_397 = tpu.memref_slice %arg14[%dma_wait3A_395, %dma_wait3A_396] : memref<2560x16xf32, #tpu.memory_space<vmem>> -> memref<1280x16xf32, #tpu.memory_space<vmem>>
        %dma_wait3A_398 = arith.constant 0 : i32
        %dma_wait3A_399 = tpu.memref_slice %arg6[%add3A_394, %dma_wait3A_398] : memref<6553600x16xf32, #tpu.memory_space<hbm>> -> memref<1280x16xf32, #tpu.memory_space<hbm>>
        %dma_wait3A_400 = arith.constant 0 : i32
        %dma_wait3A_401 = tpu.memref_slice %arg6[%add3A_394, %dma_wait3A_400] : memref<6553600x16xf32, #tpu.memory_space<hbm>> -> memref<1280x16xf32, #tpu.memory_space<hbm>>
        %dma_wait3A_402 = arith.constant 1280 : i32
        %dma_wait3A_403 = arith.constant 0 : i32
        %dma_wait3A_404 = tpu.memref_slice %arg14[%dma_wait3A_402, %dma_wait3A_403] : memref<2560x16xf32, #tpu.memory_space<vmem>> -> memref<1280x16xf32, #tpu.memory_space<vmem>>
        tpu.wait_dma2 semaphore(%arg24 : memref<!tpu.dma_semaphore, #tpu.memory_space<semaphore_mem>>) src(%dma_wait3A_404 : memref<1280x16xf32, #tpu.memory_space<vmem>>) dst(%dma_wait3A_401 : memref<1280x16xf32, #tpu.memory_space<hbm>>)
      } else {
      }
      %dma_start3A_187 = arith.constant 0 : i32
      %dma_start3A_188 = arith.constant 0 : i32
      %dma_start3A_189 = tpu.memref_slice %arg14[%dma_start3A_187, %dma_start3A_188] : memref<2560x16xf32, #tpu.memory_space<vmem>> -> memref<1280x16xf32, #tpu.memory_space<vmem>>
      %dma_start3A_190 = arith.constant 0 : i32
      %dma_start3A_191 = tpu.memref_slice %arg12[%dma_start3A_190] : memref<2560xi32, #tpu.memory_space<vmem>> -> memref<1280xi32, #tpu.memory_space<vmem>>
      %dma_start3A_192 = arith.constant 0 : i32
      %dma_start3A_193 = arith.constant 0 : i32
      %dma_start3A_194 = tpu.memref_slice %arg7[%dma_start3A_192, %dma_start3A_193] : memref<8192x16xf32, #tpu.memory_space<vmem_shared>> -> memref<8192x16xf32, #tpu.memory_space<vmem_shared>>
      tpu.enqueue_indirect_dma source(%dma_start3A_194 : memref<8192x16xf32, #tpu.memory_space<vmem_shared>>) target(%dma_start3A_189 : memref<1280x16xf32, #tpu.memory_space<vmem>>) offsets(%dma_start3A_191 : memref<1280xi32, #tpu.memory_space<vmem>>) semaphore(%arg20 : memref<!tpu.dma_semaphore, #tpu.memory_space<semaphore_mem>>)
      %dma_start3A_195 = arith.constant 1280 : i32
      %dma_start3A_196 = arith.constant 0 : i32
      %dma_start3A_197 = tpu.memref_slice %arg14[%dma_start3A_195, %dma_start3A_196] : memref<2560x16xf32, #tpu.memory_space<vmem>> -> memref<1280x16xf32, #tpu.memory_space<vmem>>
      %dma_start3A_198 = arith.constant 1280 : i32
      %dma_start3A_199 = tpu.memref_slice %arg12[%dma_start3A_198] : memref<2560xi32, #tpu.memory_space<vmem>> -> memref<1280xi32, #tpu.memory_space<vmem>>
      %dma_start3A_200 = arith.constant 0 : i32
      %dma_start3A_201 = arith.constant 0 : i32
      %dma_start3A_202 = tpu.memref_slice %arg7[%dma_start3A_200, %dma_start3A_201] : memref<8192x16xf32, #tpu.memory_space<vmem_shared>> -> memref<8192x16xf32, #tpu.memory_space<vmem_shared>>
      tpu.enqueue_indirect_dma source(%dma_start3A_202 : memref<8192x16xf32, #tpu.memory_space<vmem_shared>>) target(%dma_start3A_197 : memref<1280x16xf32, #tpu.memory_space<vmem>>) offsets(%dma_start3A_199 : memref<1280xi32, #tpu.memory_space<vmem>>) semaphore(%arg22 : memref<!tpu.dma_semaphore, #tpu.memory_space<semaphore_mem>>)
      %dma_wait3A_203 = arith.constant 0 : i32
      %dma_wait3A_204 = arith.constant 0 : i32
      %dma_wait3A_205 = tpu.memref_slice %arg14[%dma_wait3A_203, %dma_wait3A_204] : memref<2560x16xf32, #tpu.memory_space<vmem>> -> memref<1280x16xf32, #tpu.memory_space<vmem>>
      %dma_wait3A_206 = arith.constant 0 : i32
      %dma_wait3A_207 = tpu.memref_slice %arg12[%dma_wait3A_206] : memref<2560xi32, #tpu.memory_space<vmem>> -> memref<1280xi32, #tpu.memory_space<vmem>>
      %dma_wait3A_208 = arith.constant 0 : i32
      %dma_wait3A_209 = arith.constant 0 : i32
      %dma_wait3A_210 = tpu.memref_slice %arg7[%dma_wait3A_208, %dma_wait3A_209] : memref<8192x16xf32, #tpu.memory_space<vmem_shared>> -> memref<8192x16xf32, #tpu.memory_space<vmem_shared>>
      tpu.wait_indirect_dma semaphore(%arg20 : memref<!tpu.dma_semaphore, #tpu.memory_space<semaphore_mem>>) src(%dma_wait3A_210 : memref<8192x16xf32, #tpu.memory_space<vmem_shared>>) dst(%dma_wait3A_205 : memref<1280x16xf32, #tpu.memory_space<vmem>>)
      %mul3A_211 = arith.constant 80 : i32
      %mul3A_212 = arith.muli %add3A, %mul3A_211 : i32
      %add3A_213 = arith.addi %mul3A_212, %add3A_155 : i32
      %mul3A_214 = arith.constant 320 : i32
      %mul3A_215 = arith.muli %add3A_213, %mul3A_214 : i32
      %mul3A_216 = arith.constant 8 : i32
      %mul3A_217 = arith.muli %mul3A_215, %mul3A_216 : i32
      %add3A_218 = arith.constant 0 : i32
      %add3A_219 = arith.addi %mul3A_217, %add3A_218 : i32
      %dma_start3A_220 = arith.constant 0 : i32
      %dma_start3A_221 = arith.constant 0 : i32
      %dma_start3A_222 = tpu.memref_slice %arg14[%dma_start3A_220, %dma_start3A_221] : memref<2560x16xf32, #tpu.memory_space<vmem>> -> memref<1280x16xf32, #tpu.memory_space<vmem>>
      %dma_start3A_223 = arith.constant 0 : i32
      %dma_start3A_224 = tpu.memref_slice %arg6[%add3A_219, %dma_start3A_223] : memref<6553600x16xf32, #tpu.memory_space<hbm>> -> memref<1280x16xf32, #tpu.memory_space<hbm>>
      %dma_start3A_225 = arith.constant 0 : i32
      %dma_start3A_226 = tpu.memref_slice %arg6[%add3A_219, %dma_start3A_225] : memref<6553600x16xf32, #tpu.memory_space<hbm>> -> memref<1280x16xf32, #tpu.memory_space<hbm>>
      %dma_start3A_227 = arith.constant 0 : i32
      %dma_start3A_228 = arith.constant 0 : i32
      %dma_start3A_229 = tpu.memref_slice %arg14[%dma_start3A_227, %dma_start3A_228] : memref<2560x16xf32, #tpu.memory_space<vmem>> -> memref<1280x16xf32, #tpu.memory_space<vmem>>
      tpu.enqueue_dma source(%dma_start3A_229 : memref<1280x16xf32, #tpu.memory_space<vmem>>) target(%dma_start3A_226 : memref<1280x16xf32, #tpu.memory_space<hbm>>) target_semaphore(%arg24 : memref<!tpu.dma_semaphore, #tpu.memory_space<semaphore_mem>>)
      %dma_wait3A_230 = arith.constant 1280 : i32
      %dma_wait3A_231 = arith.constant 0 : i32
      %dma_wait3A_232 = tpu.memref_slice %arg14[%dma_wait3A_230, %dma_wait3A_231] : memref<2560x16xf32, #tpu.memory_space<vmem>> -> memref<1280x16xf32, #tpu.memory_space<vmem>>
      %dma_wait3A_233 = arith.constant 1280 : i32
      %dma_wait3A_234 = tpu.memref_slice %arg12[%dma_wait3A_233] : memref<2560xi32, #tpu.memory_space<vmem>> -> memref<1280xi32, #tpu.memory_space<vmem>>
      %dma_wait3A_235 = arith.constant 0 : i32
      %dma_wait3A_236 = arith.constant 0 : i32
      %dma_wait3A_237 = tpu.memref_slice %arg7[%dma_wait3A_235, %dma_wait3A_236] : memref<8192x16xf32, #tpu.memory_space<vmem_shared>> -> memref<8192x16xf32, #tpu.memory_space<vmem_shared>>
      tpu.wait_indirect_dma semaphore(%arg22 : memref<!tpu.dma_semaphore, #tpu.memory_space<semaphore_mem>>) src(%dma_wait3A_237 : memref<8192x16xf32, #tpu.memory_space<vmem_shared>>) dst(%dma_wait3A_232 : memref<1280x16xf32, #tpu.memory_space<vmem>>)
      %mul3A_238 = arith.constant 80 : i32
      %mul3A_239 = arith.muli %add3A, %mul3A_238 : i32
      %add3A_240 = arith.addi %mul3A_239, %add3A_155 : i32
      %mul3A_241 = arith.constant 320 : i32
      %mul3A_242 = arith.muli %add3A_240, %mul3A_241 : i32
      %mul3A_243 = arith.constant 8 : i32
      %mul3A_244 = arith.muli %mul3A_242, %mul3A_243 : i32
      %add3A_245 = arith.constant 1280 : i32
      %add3A_246 = arith.addi %mul3A_244, %add3A_245 : i32
      %dma_start3A_247 = arith.constant 1280 : i32
      %dma_start3A_248 = arith.constant 0 : i32
      %dma_start3A_249 = tpu.memref_slice %arg14[%dma_start3A_247, %dma_start3A_248] : memref<2560x16xf32, #tpu.memory_space<vmem>> -> memref<1280x16xf32, #tpu.memory_space<vmem>>
      %dma_start3A_250 = arith.constant 0 : i32
      %dma_start3A_251 = tpu.memref_slice %arg6[%add3A_246, %dma_start3A_250] : memref<6553600x16xf32, #tpu.memory_space<hbm>> -> memref<1280x16xf32, #tpu.memory_space<hbm>>
      %dma_start3A_252 = arith.constant 0 : i32
      %dma_start3A_253 = tpu.memref_slice %arg6[%add3A_246, %dma_start3A_252] : memref<6553600x16xf32, #tpu.memory_space<hbm>> -> memref<1280x16xf32, #tpu.memory_space<hbm>>
      %dma_start3A_254 = arith.constant 1280 : i32
      %dma_start3A_255 = arith.constant 0 : i32
      %dma_start3A_256 = tpu.memref_slice %arg14[%dma_start3A_254, %dma_start3A_255] : memref<2560x16xf32, #tpu.memory_space<vmem>> -> memref<1280x16xf32, #tpu.memory_space<vmem>>
      tpu.enqueue_dma source(%dma_start3A_256 : memref<1280x16xf32, #tpu.memory_space<vmem>>) target(%dma_start3A_253 : memref<1280x16xf32, #tpu.memory_space<hbm>>) target_semaphore(%arg24 : memref<!tpu.dma_semaphore, #tpu.memory_space<semaphore_mem>>)
      %mul3A_257 = arith.constant 2 : i32
      %mul3A_258 = arith.muli %mul3A_257, %scan3A_151 : i32
      %add3A_259 = arith.constant 1 : i32
      %add3A_260 = arith.addi %mul3A_258, %add3A_259 : i32
      %add3A_261 = arith.constant 1 : i32
      %add3A_262 = arith.addi %add3A_260, %add3A_261 : i32
      %lt3A_263 = arith.constant 80 : i32
      %lt3A_264 = arith.cmpi slt, %add3A_262, %lt3A_263 : i32
      %convert_element_type3A_265 = arith.extui %lt3A_264 : i1 to i32
      %cond3A_266 = arith.constant 0 : i32
      %cond3A_267 = arith.cmpi ne, %convert_element_type3A_265, %cond3A_266 : i32
      scf.if %cond3A_267 {
        %add3A_364 = arith.constant 1 : i32
        %add3A_365 = arith.addi %add3A_260, %add3A_364 : i32
        %mul3A_366 = arith.constant 80 : i32
        %mul3A_367 = arith.muli %add3A, %mul3A_366 : i32
        %add3A_368 = arith.addi %mul3A_367, %add3A_365 : i32
        %mul3A_369 = arith.constant 320 : i32
        %mul3A_370 = arith.muli %add3A_368, %mul3A_369 : i32
        %dma_wait3A_371 = tpu.memref_slice %arg2[%mul3A_370] : memref<819200xi32, #tpu.memory_space<hbm>> -> memref<320xi32, #tpu.memory_space<hbm>>
        %dma_wait3A_372 = tpu.memref_slice %arg2[%mul3A_370] : memref<819200xi32, #tpu.memory_space<hbm>> -> memref<320xi32, #tpu.memory_space<hbm>>
        tpu.wait_dma2 semaphore(%arg16 : memref<!tpu.dma_semaphore, #tpu.memory_space<semaphore_mem>>) src(%dma_wait3A_372 : memref<320xi32, #tpu.memory_space<hbm>>) dst(%arg8 : memref<320xi32, #tpu.memory_space<vmem>>)
        %dma_start3A_373 = arith.constant 0 : i32
        %dma_start3A_374 = tpu.memref_slice %arg10[%dma_start3A_373] : memref<640xi32, #tpu.memory_space<vmem>> -> memref<320xi32, #tpu.memory_space<vmem>>
        %dma_start3A_375 = arith.constant 0 : i32
        %dma_start3A_376 = tpu.memref_slice %arg3[%dma_start3A_375] : memref<1000002xi32, #tpu.memory_space<hbm>> -> memref<1000002xi32, #tpu.memory_space<hbm>>
        tpu.enqueue_indirect_dma source(%dma_start3A_376 : memref<1000002xi32, #tpu.memory_space<hbm>>) target(%dma_start3A_374 : memref<320xi32, #tpu.memory_space<vmem>>) offsets(%arg8 : memref<320xi32, #tpu.memory_space<vmem>>) semaphore(%arg18 : memref<!tpu.dma_semaphore, #tpu.memory_space<semaphore_mem>>)
        %dma_start3A_377 = arith.constant 320 : i32
        %dma_start3A_378 = tpu.memref_slice %arg10[%dma_start3A_377] : memref<640xi32, #tpu.memory_space<vmem>> -> memref<320xi32, #tpu.memory_space<vmem>>
        %dma_start3A_379 = arith.constant 0 : i32
        %dma_start3A_380 = tpu.memref_slice %arg4[%dma_start3A_379] : memref<1000002xi32, #tpu.memory_space<hbm>> -> memref<1000002xi32, #tpu.memory_space<hbm>>
        tpu.enqueue_indirect_dma source(%dma_start3A_380 : memref<1000002xi32, #tpu.memory_space<hbm>>) target(%dma_start3A_378 : memref<320xi32, #tpu.memory_space<vmem>>) offsets(%arg8 : memref<320xi32, #tpu.memory_space<vmem>>) semaphore(%arg18 : memref<!tpu.dma_semaphore, #tpu.memory_space<semaphore_mem>>)
      } else {
      }
      %add3A_268 = arith.constant 2 : i32
      %add3A_269 = arith.addi %add3A_260, %add3A_268 : i32
      %lt3A_270 = arith.constant 80 : i32
      %lt3A_271 = arith.cmpi slt, %add3A_269, %lt3A_270 : i32
      %convert_element_type3A_272 = arith.extui %lt3A_271 : i1 to i32
      %cond3A_273 = arith.constant 0 : i32
      %cond3A_274 = arith.cmpi ne, %convert_element_type3A_272, %cond3A_273 : i32
      scf.if %cond3A_274 {
        %add3A_364 = arith.constant 2 : i32
        %add3A_365 = arith.addi %add3A_260, %add3A_364 : i32
        %mul3A_366 = arith.constant 80 : i32
        %mul3A_367 = arith.muli %add3A, %mul3A_366 : i32
        %add3A_368 = arith.addi %mul3A_367, %add3A_365 : i32
        %mul3A_369 = arith.constant 320 : i32
        %mul3A_370 = arith.muli %add3A_368, %mul3A_369 : i32
        %dma_start3A_371 = tpu.memref_slice %arg2[%mul3A_370] : memref<819200xi32, #tpu.memory_space<hbm>> -> memref<320xi32, #tpu.memory_space<hbm>>
        %dma_start3A_372 = tpu.memref_slice %arg2[%mul3A_370] : memref<819200xi32, #tpu.memory_space<hbm>> -> memref<320xi32, #tpu.memory_space<hbm>>
        tpu.enqueue_dma source(%dma_start3A_372 : memref<320xi32, #tpu.memory_space<hbm>>) target(%arg9 : memref<320xi32, #tpu.memory_space<vmem>>) target_semaphore(%arg17 : memref<!tpu.dma_semaphore, #tpu.memory_space<semaphore_mem>>)
      } else {
      }
      %dma_wait3A_275 = arith.constant 0 : i32
      %dma_wait3A_276 = tpu.memref_slice %arg11[%dma_wait3A_275] : memref<640xi32, #tpu.memory_space<vmem>> -> memref<320xi32, #tpu.memory_space<vmem>>
      %dma_wait3A_277 = arith.constant 0 : i32
      %dma_wait3A_278 = tpu.memref_slice %arg3[%dma_wait3A_277] : memref<1000002xi32, #tpu.memory_space<hbm>> -> memref<1000002xi32, #tpu.memory_space<hbm>>
      tpu.wait_indirect_dma semaphore(%arg19 : memref<!tpu.dma_semaphore, #tpu.memory_space<semaphore_mem>>) src(%dma_wait3A_278 : memref<1000002xi32, #tpu.memory_space<hbm>>) dst(%dma_wait3A_276 : memref<320xi32, #tpu.memory_space<vmem>>)
      %dma_wait3A_279 = arith.constant 320 : i32
      %dma_wait3A_280 = tpu.memref_slice %arg11[%dma_wait3A_279] : memref<640xi32, #tpu.memory_space<vmem>> -> memref<320xi32, #tpu.memory_space<vmem>>
      %dma_wait3A_281 = arith.constant 0 : i32
      %dma_wait3A_282 = tpu.memref_slice %arg4[%dma_wait3A_281] : memref<1000002xi32, #tpu.memory_space<hbm>> -> memref<1000002xi32, #tpu.memory_space<hbm>>
      tpu.wait_indirect_dma semaphore(%arg19 : memref<!tpu.dma_semaphore, #tpu.memory_space<semaphore_mem>>) src(%dma_wait3A_282 : memref<1000002xi32, #tpu.memory_space<hbm>>) dst(%dma_wait3A_280 : memref<320xi32, #tpu.memory_space<vmem>>)
      %scan3A_283 = arith.constant 0 : i32
      %scan3A_284 = arith.constant 0 : i32
      %scan3A_285 = arith.constant 160 : i32
      %scan3A_286 = arith.addi %scan3A_284, %scan3A_285 : i32
      %scan3A_287 = arith.constant 1 : i32
      scf.for %scan3A_364 = %scan3A_284 to %scan3A_286 step %scan3A_287  : i32 {
        %mul3A_365 = arith.constant 2 : i32
        %mul3A_366 = arith.muli %mul3A_365, %scan3A_364 : i32
        %add3A_367 = vector.broadcast %mul3A_366 : i32 to vector<16xi32>
        %add3A_368 = arith.addi %add3A_367, %add3A_11 : vector<16xi32>
        %gather3A = tpu.vector_load_idx %arg11[%add3A_368] : memref<640xi32, #tpu.memory_space<vmem>>[vector<16xi32>], vector<16xi32>,
        %shift_right_arithmetic3A_369 = arith.shrsi %gather3A, %mul3A_17 : vector<16xi32>
        %and3A_370 = arith.constant 255 : i32
        %and3A_371 = vector.broadcast %and3A_370 : i32 to vector<16xi32>
        %and3A_372 = arith.andi %shift_right_arithmetic3A_369, %and3A_371 : vector<16xi32>
        %add3A_373 = arith.addi %and3A_372, %add3A_28 : vector<16xi32>
        %mul3A_374 = arith.constant 16 : i32
        %mul3A_375 = arith.muli %scan3A_364, %mul3A_374 : i32
        %swap3A = arith.index_cast %mul3A_375 : i32 to index
        %swap3A_376 = tpu.vector_load %arg13[%swap3A] {strides = array<i32>} : memref<2560xi32, #tpu.memory_space<vmem>>, vector<16xi32>,
        tpu.vector_store %arg13[%swap3A], %add3A_373 {strides = array<i32>} : memref<2560xi32, #tpu.memory_space<vmem>>, vector<16xi32>,
      }
      %scan3A_288 = arith.constant 160 : i32
      %ge3A_289 = arith.constant 2 : i32
      %ge3A_290 = arith.cmpi sge, %add3A_260, %ge3A_289 : i32
      %convert_element_type3A_291 = arith.extui %ge3A_290 : i1 to i32
      %cond3A_292 = arith.constant 0 : i32
      %cond3A_293 = arith.cmpi ne, %convert_element_type3A_291, %cond3A_292 : i32
      scf.if %cond3A_293 {
        %sub3A = arith.constant 2 : i32
        %sub3A_364 = arith.subi %add3A_260, %sub3A : i32
        %mul3A_365 = arith.constant 80 : i32
        %mul3A_366 = arith.muli %add3A, %mul3A_365 : i32
        %add3A_367 = arith.addi %mul3A_366, %sub3A_364 : i32
        %mul3A_368 = arith.constant 320 : i32
        %mul3A_369 = arith.muli %add3A_367, %mul3A_368 : i32
        %mul3A_370 = arith.constant 8 : i32
        %mul3A_371 = arith.muli %mul3A_369, %mul3A_370 : i32
        %add3A_372 = arith.constant 0 : i32
        %add3A_373 = arith.addi %mul3A_371, %add3A_372 : i32
        %dma_wait3A_374 = arith.constant 0 : i32
        %dma_wait3A_375 = arith.constant 0 : i32
        %dma_wait3A_376 = tpu.memref_slice %arg15[%dma_wait3A_374, %dma_wait3A_375] : memref<2560x16xf32, #tpu.memory_space<vmem>> -> memref<1280x16xf32, #tpu.memory_space<vmem>>
        %dma_wait3A_377 = arith.constant 0 : i32
        %dma_wait3A_378 = tpu.memref_slice %arg6[%add3A_373, %dma_wait3A_377] : memref<6553600x16xf32, #tpu.memory_space<hbm>> -> memref<1280x16xf32, #tpu.memory_space<hbm>>
        %dma_wait3A_379 = arith.constant 0 : i32
        %dma_wait3A_380 = tpu.memref_slice %arg6[%add3A_373, %dma_wait3A_379] : memref<6553600x16xf32, #tpu.memory_space<hbm>> -> memref<1280x16xf32, #tpu.memory_space<hbm>>
        %dma_wait3A_381 = arith.constant 0 : i32
        %dma_wait3A_382 = arith.constant 0 : i32
        %dma_wait3A_383 = tpu.memref_slice %arg15[%dma_wait3A_381, %dma_wait3A_382] : memref<2560x16xf32, #tpu.memory_space<vmem>> -> memref<1280x16xf32, #tpu.memory_space<vmem>>
        tpu.wait_dma2 semaphore(%arg25 : memref<!tpu.dma_semaphore, #tpu.memory_space<semaphore_mem>>) src(%dma_wait3A_383 : memref<1280x16xf32, #tpu.memory_space<vmem>>) dst(%dma_wait3A_380 : memref<1280x16xf32, #tpu.memory_space<hbm>>)
        %sub3A_384 = arith.constant 2 : i32
        %sub3A_385 = arith.subi %add3A_260, %sub3A_384 : i32
        %mul3A_386 = arith.constant 80 : i32
        %mul3A_387 = arith.muli %add3A, %mul3A_386 : i32
        %add3A_388 = arith.addi %mul3A_387, %sub3A_385 : i32
        %mul3A_389 = arith.constant 320 : i32
        %mul3A_390 = arith.muli %add3A_388, %mul3A_389 : i32
        %mul3A_391 = arith.constant 8 : i32
        %mul3A_392 = arith.muli %mul3A_390, %mul3A_391 : i32
        %add3A_393 = arith.constant 1280 : i32
        %add3A_394 = arith.addi %mul3A_392, %add3A_393 : i32
        %dma_wait3A_395 = arith.constant 1280 : i32
        %dma_wait3A_396 = arith.constant 0 : i32
        %dma_wait3A_397 = tpu.memref_slice %arg15[%dma_wait3A_395, %dma_wait3A_396] : memref<2560x16xf32, #tpu.memory_space<vmem>> -> memref<1280x16xf32, #tpu.memory_space<vmem>>
        %dma_wait3A_398 = arith.constant 0 : i32
        %dma_wait3A_399 = tpu.memref_slice %arg6[%add3A_394, %dma_wait3A_398] : memref<6553600x16xf32, #tpu.memory_space<hbm>> -> memref<1280x16xf32, #tpu.memory_space<hbm>>
        %dma_wait3A_400 = arith.constant 0 : i32
        %dma_wait3A_401 = tpu.memref_slice %arg6[%add3A_394, %dma_wait3A_400] : memref<6553600x16xf32, #tpu.memory_space<hbm>> -> memref<1280x16xf32, #tpu.memory_space<hbm>>
        %dma_wait3A_402 = arith.constant 1280 : i32
        %dma_wait3A_403 = arith.constant 0 : i32
        %dma_wait3A_404 = tpu.memref_slice %arg15[%dma_wait3A_402, %dma_wait3A_403] : memref<2560x16xf32, #tpu.memory_space<vmem>> -> memref<1280x16xf32, #tpu.memory_space<vmem>>
        tpu.wait_dma2 semaphore(%arg25 : memref<!tpu.dma_semaphore, #tpu.memory_space<semaphore_mem>>) src(%dma_wait3A_404 : memref<1280x16xf32, #tpu.memory_space<vmem>>) dst(%dma_wait3A_401 : memref<1280x16xf32, #tpu.memory_space<hbm>>)
      } else {
      }
      %dma_start3A_294 = arith.constant 0 : i32
      %dma_start3A_295 = arith.constant 0 : i32
      %dma_start3A_296 = tpu.memref_slice %arg15[%dma_start3A_294, %dma_start3A_295] : memref<2560x16xf32, #tpu.memory_space<vmem>> -> memref<1280x16xf32, #tpu.memory_space<vmem>>
      %dma_start3A_297 = arith.constant 0 : i32
      %dma_start3A_298 = tpu.memref_slice %arg13[%dma_start3A_297] : memref<2560xi32, #tpu.memory_space<vmem>> -> memref<1280xi32, #tpu.memory_space<vmem>>
      %dma_start3A_299 = arith.constant 0 : i32
      %dma_start3A_300 = arith.constant 0 : i32
      %dma_start3A_301 = tpu.memref_slice %arg7[%dma_start3A_299, %dma_start3A_300] : memref<8192x16xf32, #tpu.memory_space<vmem_shared>> -> memref<8192x16xf32, #tpu.memory_space<vmem_shared>>
      tpu.enqueue_indirect_dma source(%dma_start3A_301 : memref<8192x16xf32, #tpu.memory_space<vmem_shared>>) target(%dma_start3A_296 : memref<1280x16xf32, #tpu.memory_space<vmem>>) offsets(%dma_start3A_298 : memref<1280xi32, #tpu.memory_space<vmem>>) semaphore(%arg21 : memref<!tpu.dma_semaphore, #tpu.memory_space<semaphore_mem>>)
      %dma_start3A_302 = arith.constant 1280 : i32
      %dma_start3A_303 = arith.constant 0 : i32
      %dma_start3A_304 = tpu.memref_slice %arg15[%dma_start3A_302, %dma_start3A_303] : memref<2560x16xf32, #tpu.memory_space<vmem>> -> memref<1280x16xf32, #tpu.memory_space<vmem>>
      %dma_start3A_305 = arith.constant 1280 : i32
      %dma_start3A_306 = tpu.memref_slice %arg13[%dma_start3A_305] : memref<2560xi32, #tpu.memory_space<vmem>> -> memref<1280xi32, #tpu.memory_space<vmem>>
      %dma_start3A_307 = arith.constant 0 : i32
      %dma_start3A_308 = arith.constant 0 : i32
      %dma_start3A_309 = tpu.memref_slice %arg7[%dma_start3A_307, %dma_start3A_308] : memref<8192x16xf32, #tpu.memory_space<vmem_shared>> -> memref<8192x16xf32, #tpu.memory_space<vmem_shared>>
      tpu.enqueue_indirect_dma source(%dma_start3A_309 : memref<8192x16xf32, #tpu.memory_space<vmem_shared>>) target(%dma_start3A_304 : memref<1280x16xf32, #tpu.memory_space<vmem>>) offsets(%dma_start3A_306 : memref<1280xi32, #tpu.memory_space<vmem>>) semaphore(%arg23 : memref<!tpu.dma_semaphore, #tpu.memory_space<semaphore_mem>>)
      %dma_wait3A_310 = arith.constant 0 : i32
      %dma_wait3A_311 = arith.constant 0 : i32
      %dma_wait3A_312 = tpu.memref_slice %arg15[%dma_wait3A_310, %dma_wait3A_311] : memref<2560x16xf32, #tpu.memory_space<vmem>> -> memref<1280x16xf32, #tpu.memory_space<vmem>>
      %dma_wait3A_313 = arith.constant 0 : i32
      %dma_wait3A_314 = tpu.memref_slice %arg13[%dma_wait3A_313] : memref<2560xi32, #tpu.memory_space<vmem>> -> memref<1280xi32, #tpu.memory_space<vmem>>
      %dma_wait3A_315 = arith.constant 0 : i32
      %dma_wait3A_316 = arith.constant 0 : i32
      %dma_wait3A_317 = tpu.memref_slice %arg7[%dma_wait3A_315, %dma_wait3A_316] : memref<8192x16xf32, #tpu.memory_space<vmem_shared>> -> memref<8192x16xf32, #tpu.memory_space<vmem_shared>>
      tpu.wait_indirect_dma semaphore(%arg21 : memref<!tpu.dma_semaphore, #tpu.memory_space<semaphore_mem>>) src(%dma_wait3A_317 : memref<8192x16xf32, #tpu.memory_space<vmem_shared>>) dst(%dma_wait3A_312 : memref<1280x16xf32, #tpu.memory_space<vmem>>)
      %mul3A_318 = arith.constant 80 : i32
      %mul3A_319 = arith.muli %add3A, %mul3A_318 : i32
      %add3A_320 = arith.addi %mul3A_319, %add3A_260 : i32
      %mul3A_321 = arith.constant 320 : i32
      %mul3A_322 = arith.muli %add3A_320, %mul3A_321 : i32
      %mul3A_323 = arith.constant 8 : i32
      %mul3A_324 = arith.muli %mul3A_322, %mul3A_323 : i32
      %add3A_325 = arith.constant 0 : i32
      %add3A_326 = arith.addi %mul3A_324, %add3A_325 : i32
      %dma_start3A_327 = arith.constant 0 : i32
      %dma_start3A_328 = arith.constant 0 : i32
      %dma_start3A_329 = tpu.memref_slice %arg15[%dma_start3A_327, %dma_start3A_328] : memref<2560x16xf32, #tpu.memory_space<vmem>> -> memref<1280x16xf32, #tpu.memory_space<vmem>>
      %dma_start3A_330 = arith.constant 0 : i32
      %dma_start3A_331 = tpu.memref_slice %arg6[%add3A_326, %dma_start3A_330] : memref<6553600x16xf32, #tpu.memory_space<hbm>> -> memref<1280x16xf32, #tpu.memory_space<hbm>>
      %dma_start3A_332 = arith.constant 0 : i32
      %dma_start3A_333 = tpu.memref_slice %arg6[%add3A_326, %dma_start3A_332] : memref<6553600x16xf32, #tpu.memory_space<hbm>> -> memref<1280x16xf32, #tpu.memory_space<hbm>>
      %dma_start3A_334 = arith.constant 0 : i32
      %dma_start3A_335 = arith.constant 0 : i32
      %dma_start3A_336 = tpu.memref_slice %arg15[%dma_start3A_334, %dma_start3A_335] : memref<2560x16xf32, #tpu.memory_space<vmem>> -> memref<1280x16xf32, #tpu.memory_space<vmem>>
      tpu.enqueue_dma source(%dma_start3A_336 : memref<1280x16xf32, #tpu.memory_space<vmem>>) target(%dma_start3A_333 : memref<1280x16xf32, #tpu.memory_space<hbm>>) target_semaphore(%arg25 : memref<!tpu.dma_semaphore, #tpu.memory_space<semaphore_mem>>)
      %dma_wait3A_337 = arith.constant 1280 : i32
      %dma_wait3A_338 = arith.constant 0 : i32
      %dma_wait3A_339 = tpu.memref_slice %arg15[%dma_wait3A_337, %dma_wait3A_338] : memref<2560x16xf32, #tpu.memory_space<vmem>> -> memref<1280x16xf32, #tpu.memory_space<vmem>>
      %dma_wait3A_340 = arith.constant 1280 : i32
      %dma_wait3A_341 = tpu.memref_slice %arg13[%dma_wait3A_340] : memref<2560xi32, #tpu.memory_space<vmem>> -> memref<1280xi32, #tpu.memory_space<vmem>>
      %dma_wait3A_342 = arith.constant 0 : i32
      %dma_wait3A_343 = arith.constant 0 : i32
      %dma_wait3A_344 = tpu.memref_slice %arg7[%dma_wait3A_342, %dma_wait3A_343] : memref<8192x16xf32, #tpu.memory_space<vmem_shared>> -> memref<8192x16xf32, #tpu.memory_space<vmem_shared>>
      tpu.wait_indirect_dma semaphore(%arg23 : memref<!tpu.dma_semaphore, #tpu.memory_space<semaphore_mem>>) src(%dma_wait3A_344 : memref<8192x16xf32, #tpu.memory_space<vmem_shared>>) dst(%dma_wait3A_339 : memref<1280x16xf32, #tpu.memory_space<vmem>>)
      %mul3A_345 = arith.constant 80 : i32
      %mul3A_346 = arith.muli %add3A, %mul3A_345 : i32
      %add3A_347 = arith.addi %mul3A_346, %add3A_260 : i32
      %mul3A_348 = arith.constant 320 : i32
      %mul3A_349 = arith.muli %add3A_347, %mul3A_348 : i32
      %mul3A_350 = arith.constant 8 : i32
      %mul3A_351 = arith.muli %mul3A_349, %mul3A_350 : i32
      %add3A_352 = arith.constant 1280 : i32
      %add3A_353 = arith.addi %mul3A_351, %add3A_352 : i32
      %dma_start3A_354 = arith.constant 1280 : i32
      %dma_start3A_355 = arith.constant 0 : i32
      %dma_start3A_356 = tpu.memref_slice %arg15[%dma_start3A_354, %dma_start3A_355] : memref<2560x16xf32, #tpu.memory_space<vmem>> -> memref<1280x16xf32, #tpu.memory_space<vmem>>
      %dma_start3A_357 = arith.constant 0 : i32
      %dma_start3A_358 = tpu.memref_slice %arg6[%add3A_353, %dma_start3A_357] : memref<6553600x16xf32, #tpu.memory_space<hbm>> -> memref<1280x16xf32, #tpu.memory_space<hbm>>
      %dma_start3A_359 = arith.constant 0 : i32
      %dma_start3A_360 = tpu.memref_slice %arg6[%add3A_353, %dma_start3A_359] : memref<6553600x16xf32, #tpu.memory_space<hbm>> -> memref<1280x16xf32, #tpu.memory_space<hbm>>
      %dma_start3A_361 = arith.constant 1280 : i32
      %dma_start3A_362 = arith.constant 0 : i32
      %dma_start3A_363 = tpu.memref_slice %arg15[%dma_start3A_361, %dma_start3A_362] : memref<2560x16xf32, #tpu.memory_space<vmem>> -> memref<1280x16xf32, #tpu.memory_space<vmem>>
      tpu.enqueue_dma source(%dma_start3A_363 : memref<1280x16xf32, #tpu.memory_space<vmem>>) target(%dma_start3A_360 : memref<1280x16xf32, #tpu.memory_space<hbm>>) target_semaphore(%arg25 : memref<!tpu.dma_semaphore, #tpu.memory_space<semaphore_mem>>)
    }
    %scan3A_71 = arith.constant 40 : i32
    %mul3A_72 = arith.constant 80 : i32
    %mul3A_73 = arith.muli %add3A, %mul3A_72 : i32
    %add3A_74 = arith.constant 78 : i32
    %add3A_75 = arith.addi %mul3A_73, %add3A_74 : i32
    %mul3A_76 = arith.constant 320 : i32
    %mul3A_77 = arith.muli %add3A_75, %mul3A_76 : i32
    %mul3A_78 = arith.constant 8 : i32
    %mul3A_79 = arith.muli %mul3A_77, %mul3A_78 : i32
    %add3A_80 = arith.constant 0 : i32
    %add3A_81 = arith.addi %mul3A_79, %add3A_80 : i32
    %dma_wait3A = arith.constant 0 : i32
    %dma_wait3A_82 = arith.constant 0 : i32
    %dma_wait3A_83 = tpu.memref_slice %arg14[%dma_wait3A, %dma_wait3A_82] : memref<2560x16xf32, #tpu.memory_space<vmem>> -> memref<1280x16xf32, #tpu.memory_space<vmem>>
    %dma_wait3A_84 = arith.constant 0 : i32
    %dma_wait3A_85 = tpu.memref_slice %arg6[%add3A_81, %dma_wait3A_84] : memref<6553600x16xf32, #tpu.memory_space<hbm>> -> memref<1280x16xf32, #tpu.memory_space<hbm>>
    %dma_wait3A_86 = arith.constant 0 : i32
    %dma_wait3A_87 = tpu.memref_slice %arg6[%add3A_81, %dma_wait3A_86] : memref<6553600x16xf32, #tpu.memory_space<hbm>> -> memref<1280x16xf32, #tpu.memory_space<hbm>>
    %dma_wait3A_88 = arith.constant 0 : i32
    %dma_wait3A_89 = arith.constant 0 : i32
    %dma_wait3A_90 = tpu.memref_slice %arg14[%dma_wait3A_88, %dma_wait3A_89] : memref<2560x16xf32, #tpu.memory_space<vmem>> -> memref<1280x16xf32, #tpu.memory_space<vmem>>
    tpu.wait_dma2 semaphore(%arg24 : memref<!tpu.dma_semaphore, #tpu.memory_space<semaphore_mem>>) src(%dma_wait3A_90 : memref<1280x16xf32, #tpu.memory_space<vmem>>) dst(%dma_wait3A_87 : memref<1280x16xf32, #tpu.memory_space<hbm>>)
    %mul3A_91 = arith.constant 80 : i32
    %mul3A_92 = arith.muli %add3A, %mul3A_91 : i32
    %add3A_93 = arith.constant 78 : i32
    %add3A_94 = arith.addi %mul3A_92, %add3A_93 : i32
    %mul3A_95 = arith.constant 320 : i32
    %mul3A_96 = arith.muli %add3A_94, %mul3A_95 : i32
    %mul3A_97 = arith.constant 8 : i32
    %mul3A_98 = arith.muli %mul3A_96, %mul3A_97 : i32
    %add3A_99 = arith.constant 1280 : i32
    %add3A_100 = arith.addi %mul3A_98, %add3A_99 : i32
    %dma_wait3A_101 = arith.constant 1280 : i32
    %dma_wait3A_102 = arith.constant 0 : i32
    %dma_wait3A_103 = tpu.memref_slice %arg14[%dma_wait3A_101, %dma_wait3A_102] : memref<2560x16xf32, #tpu.memory_space<vmem>> -> memref<1280x16xf32, #tpu.memory_space<vmem>>
    %dma_wait3A_104 = arith.constant 0 : i32
    %dma_wait3A_105 = tpu.memref_slice %arg6[%add3A_100, %dma_wait3A_104] : memref<6553600x16xf32, #tpu.memory_space<hbm>> -> memref<1280x16xf32, #tpu.memory_space<hbm>>
    %dma_wait3A_106 = arith.constant 0 : i32
    %dma_wait3A_107 = tpu.memref_slice %arg6[%add3A_100, %dma_wait3A_106] : memref<6553600x16xf32, #tpu.memory_space<hbm>> -> memref<1280x16xf32, #tpu.memory_space<hbm>>
    %dma_wait3A_108 = arith.constant 1280 : i32
    %dma_wait3A_109 = arith.constant 0 : i32
    %dma_wait3A_110 = tpu.memref_slice %arg14[%dma_wait3A_108, %dma_wait3A_109] : memref<2560x16xf32, #tpu.memory_space<vmem>> -> memref<1280x16xf32, #tpu.memory_space<vmem>>
    tpu.wait_dma2 semaphore(%arg24 : memref<!tpu.dma_semaphore, #tpu.memory_space<semaphore_mem>>) src(%dma_wait3A_110 : memref<1280x16xf32, #tpu.memory_space<vmem>>) dst(%dma_wait3A_107 : memref<1280x16xf32, #tpu.memory_space<hbm>>)
    %mul3A_111 = arith.constant 80 : i32
    %mul3A_112 = arith.muli %add3A, %mul3A_111 : i32
    %add3A_113 = arith.constant 79 : i32
    %add3A_114 = arith.addi %mul3A_112, %add3A_113 : i32
    %mul3A_115 = arith.constant 320 : i32
    %mul3A_116 = arith.muli %add3A_114, %mul3A_115 : i32
    %mul3A_117 = arith.constant 8 : i32
    %mul3A_118 = arith.muli %mul3A_116, %mul3A_117 : i32
    %add3A_119 = arith.constant 0 : i32
    %add3A_120 = arith.addi %mul3A_118, %add3A_119 : i32
    %dma_wait3A_121 = arith.constant 0 : i32
    %dma_wait3A_122 = arith.constant 0 : i32
    %dma_wait3A_123 = tpu.memref_slice %arg15[%dma_wait3A_121, %dma_wait3A_122] : memref<2560x16xf32, #tpu.memory_space<vmem>> -> memref<1280x16xf32, #tpu.memory_space<vmem>>
    %dma_wait3A_124 = arith.constant 0 : i32
    %dma_wait3A_125 = tpu.memref_slice %arg6[%add3A_120, %dma_wait3A_124] : memref<6553600x16xf32, #tpu.memory_space<hbm>> -> memref<1280x16xf32, #tpu.memory_space<hbm>>
    %dma_wait3A_126 = arith.constant 0 : i32
    %dma_wait3A_127 = tpu.memref_slice %arg6[%add3A_120, %dma_wait3A_126] : memref<6553600x16xf32, #tpu.memory_space<hbm>> -> memref<1280x16xf32, #tpu.memory_space<hbm>>
    %dma_wait3A_128 = arith.constant 0 : i32
    %dma_wait3A_129 = arith.constant 0 : i32
    %dma_wait3A_130 = tpu.memref_slice %arg15[%dma_wait3A_128, %dma_wait3A_129] : memref<2560x16xf32, #tpu.memory_space<vmem>> -> memref<1280x16xf32, #tpu.memory_space<vmem>>
    tpu.wait_dma2 semaphore(%arg25 : memref<!tpu.dma_semaphore, #tpu.memory_space<semaphore_mem>>) src(%dma_wait3A_130 : memref<1280x16xf32, #tpu.memory_space<vmem>>) dst(%dma_wait3A_127 : memref<1280x16xf32, #tpu.memory_space<hbm>>)
    %mul3A_131 = arith.constant 80 : i32
    %mul3A_132 = arith.muli %add3A, %mul3A_131 : i32
    %add3A_133 = arith.constant 79 : i32
    %add3A_134 = arith.addi %mul3A_132, %add3A_133 : i32
    %mul3A_135 = arith.constant 320 : i32
    %mul3A_136 = arith.muli %add3A_134, %mul3A_135 : i32
    %mul3A_137 = arith.constant 8 : i32
    %mul3A_138 = arith.muli %mul3A_136, %mul3A_137 : i32
    %add3A_139 = arith.constant 1280 : i32
    %add3A_140 = arith.addi %mul3A_138, %add3A_139 : i32
    %dma_wait3A_141 = arith.constant 1280 : i32
    %dma_wait3A_142 = arith.constant 0 : i32
    %dma_wait3A_143 = tpu.memref_slice %arg15[%dma_wait3A_141, %dma_wait3A_142] : memref<2560x16xf32, #tpu.memory_space<vmem>> -> memref<1280x16xf32, #tpu.memory_space<vmem>>
    %dma_wait3A_144 = arith.constant 0 : i32
    %dma_wait3A_145 = tpu.memref_slice %arg6[%add3A_140, %dma_wait3A_144] : memref<6553600x16xf32, #tpu.memory_space<hbm>> -> memref<1280x16xf32, #tpu.memory_space<hbm>>
    %dma_wait3A_146 = arith.constant 0 : i32
    %dma_wait3A_147 = tpu.memref_slice %arg6[%add3A_140, %dma_wait3A_146] : memref<6553600x16xf32, #tpu.memory_space<hbm>> -> memref<1280x16xf32, #tpu.memory_space<hbm>>
    %dma_wait3A_148 = arith.constant 1280 : i32
    %dma_wait3A_149 = arith.constant 0 : i32
    %dma_wait3A_150 = tpu.memref_slice %arg15[%dma_wait3A_148, %dma_wait3A_149] : memref<2560x16xf32, #tpu.memory_space<vmem>> -> memref<1280x16xf32, #tpu.memory_space<vmem>>
    tpu.wait_dma2 semaphore(%arg25 : memref<!tpu.dma_semaphore, #tpu.memory_space<semaphore_mem>>) src(%dma_wait3A_150 : memref<1280x16xf32, #tpu.memory_space<vmem>>) dst(%dma_wait3A_147 : memref<1280x16xf32, #tpu.memory_space<hbm>>)
    return
  }
}

</mosaic_0001>

<sc_bundles>
// kernel: kernel.3.cloned.1.call-start
scs
__scs_entry_jumppad:
0x0: {  	(pc) =	sbr.rel $0x88, $3  }
0x1: {  	(tag) =	ssettag $0x0;
	lr =	simm.s32 $0x1  }
0x2: {  	[smem:$0x3F9E] =	sst lr;
	_ =	strace $0xD0000000  }
0x3: {  	_ = 	snop  }
0x4: {  	_ = 	snop  }
0x5: {  	_ = 	snop  }
0x6: {  	_ = 	snop  }
0x7: {  	_ = 	snop  }
__scs_overlays_trampoline_lowered:
0x8: {  	[smem:$0x3FAD] =	sst s0  }
0x9: {  	[smem:$0x3FAE] =	sst s1  }
0xa: {  	[smem:$0x3FAF] =	sst s2  }
0xb: {  	[smem:$0x3FB0] =	sst s3  }
0xc: {  	[smem:$0x3FB1] =	sst s4  }
0xd: {  	[smem:$0x3FB2] =	sst s5  }
0xe: {  	[smem:$0x3FB3] =	sst s6  }
0xf: {  	[smem:$0x3FB4] =	sst s7  }
0x10: {  	[smem:$0x3FB5] =	sst s8  }
0x11: {  	[smem:$0x3FB6] =	sst s9;
	s0 =	simm.s32 @!p0 $0x0  }
0x12: {  	s1 =	sld [smem:$0x3F9C];
	s0 =	simm.s32 @p0 $0x1  }
0x13: {  	[smem:$0x3FB7] =	sst s0;
	s0 =	simm.s32 @!p1 $0x0  }
0x14: {  	s2 =	sld [smem:$0x3F9B];
	s0 =	simm.s32 @p1 $0x1  }
0x15: {  	[smem:$0x3FB8] =	sst s0;
	s0 =	simm.s32 @!p2 $0x0  }
0x16: {  	s3 =	sld [smem:$0x3FDB];
	s0 =	simm.s32 @p2 $0x1  }
0x17: {  	s4 =	simm.s32 $0x1BF5;
	[smem:$0x3FBA] =	sst s0  }
0x18: {  	s0 =	sld [smem:$0x3F9D];
	_ =	swait.ge [sflag:s4], $0x0  }
0x19: {  	s7 =	sld [smem:$0x3F9E]  }
0x1a: {  	s8 =	sadd.s32 $0xFFFFE003, lr  }
0x1b: {  	s9 =	sadd.s32 $0xFFFFFEF7, lr;
	s5 =	simm.s32 $0xFFFFFFFF;
	p2 =	slt.u32 s8, $0xFFFFF086  }
0x1c: {  	p1 =	slt.u32 s9, $0xF7A;
	s5 =	simm.s32 @!p2 $0x0  }
0x1d: {  	s5 =	simm.s32 @p1 $0x1;
	p0 =	seq.s32 s7, s2  }
0x1e: {  	s7 =	smul.u32 @!p0 $0xF7A, s2;
	p2 =	seq.s32 @!p0 s5, $0x0  }
0x1f: {  	s9 =	smul.u32 $0xF7A, s1;
	s8 =	simm.s32 @!p0 $0x1BF5;
	p2 =	por !p2, p0  }
0x20: {  	[sflag:s8] =	ssyncset.s32 @!p0 $0xFFFFF086;
	s6 =	sadd.s32 @!p0 s3, s7;
	s7 =	simm.s32 @!p0 $0x108  }
0x21: {  	s3 =	sadd.s32 s3, s9;
	s6 =	sadd.s32 @!p0 $0x88, s6;
	s7 =	simm.s32 @p2 $0x1082  }
0x22: {  	[simem:s7], [sflag:s8] =	dma.local @!p0 [hbm:s6], $0xF7A  }
0x23: {  	s9 =	sor.u32 $0xD0000000, s2;
	s6 =	simm.s32 $0x108;
	_ =	swait.ge @!p0 [sflag:s8], $0x0  }
0x24: {  	s3 =	sadd.s32 $0x88, s3;
	s6 =	simm.s32 @!p1 $0x1082;
	[sflag:s4] =	ssyncset.s32 $0xFFFFF086  }
0x25: {  	[simem:s6], [sflag:s4] =	dma.local [hbm:s3], $0xF7A  }
0x26: {  	[smem:$0x3F9E] =	sst s1;
	(tag) =	ssettag s2;
	_ =	strace s9  }
0x27: {  	s1 =	sld [smem:$0x3FAE]  }
0x28: {  	s2 =	sld [smem:$0x3FAF]  }
0x29: {  	s4 =	sld [smem:$0x3FB1]  }
0x2a: {  	p0 =	seq.s32 s5, $0x0;
	s5 =	sld [smem:$0x3FB2]  }
0x2b: {  	s6 =	sld [smem:$0x3FB3]  }
0x2c: {  	s7 =	sld [smem:$0x3FB4]  }
0x2d: {  	s3 =	simm.s32 $0x108;
	s8 =	sld [smem:$0x3FB5]  }
0x2e: {  	s3 =	simm.s32 @!p0 $0x1082;
	s9 =	sld [smem:$0x3FB6]  }
0x2f: {  	lr =	sadd.s32 s0, s3;
	s0 =	sld [smem:$0x3FAD]  }
0x30: {  	s3 =	sld [smem:$0x3FB0]  }
0x31: {  	[smem:$0x3FB9] =	sst s10  }
0x32: {  	s10 =	sld [smem:$0x3FB7];
	_ =	sdelay $0x3  }
0x33: {  	p0 =	seq.s32 s10, $0x1;
	s10 =	sld [smem:$0x3FB9];
	_ =	sdelay $0x3  }
0x34: {  	[smem:$0x3FB9] =	sst s10  }
0x35: {  	s10 =	sld [smem:$0x3FB8];
	_ =	sdelay $0x3  }
0x36: {  	p1 =	seq.s32 s10, $0x1;
	s10 =	sld [smem:$0x3FB9];
	_ =	sdelay $0x3  }
0x37: {  	[smem:$0x3FB9] =	sst s10  }
0x38: {  	s10 =	sld [smem:$0x3FBA]  }
0x39: {  	_ = 	snop;
	(pc) =	sbr.ind lr, $3  }
0x3a: {  	_ = 	snop  }
0x3b: {  	_ = 	snop  }
0x3c: {  	p2 =	seq.s32 s10, $0x1;
	s10 =	sld [smem:$0x3FB9]  }
0x3d: {  	_ =	shalt  }
0x3e: {  	_ =	shalt  }
0x3f: {  	_ =	shalt  }
0x40: {  	_ =	shalt  }
0x41: {  	_ =	shalt  }
0x42: {  	_ =	shalt  }
0x43: {  	_ =	shalt  }
0x44: {  	_ =	shalt  }
0x45: {  	_ =	shalt  }
0x46: {  	_ =	shalt  }
0x47: {  	_ =	shalt  }
0x48: {  	_ =	shalt  }
0x49: {  	_ =	shalt  }
0x4a: {  	_ =	shalt  }
0x4b: {  	_ =	shalt  }
0x4c: {  	_ =	shalt  }
0x4d: {  	_ =	shalt  }
0x4e: {  	_ =	shalt  }
0x4f: {  	_ =	shalt  }
0x50: {  	_ =	shalt  }
0x51: {  	_ =	shalt  }
0x52: {  	_ =	shalt  }
0x53: {  	_ =	shalt  }
0x54: {  	_ =	shalt  }
0x55: {  	_ =	shalt  }
0x56: {  	_ =	shalt  }
0x57: {  	_ =	shalt  }
0x58: {  	_ =	shalt  }
0x59: {  	_ =	shalt  }
0x5a: {  	_ =	shalt  }
0x5b: {  	_ =	shalt  }
0x5c: {  	_ =	shalt  }
0x5d: {  	_ =	shalt  }
0x5e: {  	_ =	shalt  }
0x5f: {  	_ =	shalt  }
0x60: {  	_ =	shalt  }
0x61: {  	_ =	shalt  }
0x62: {  	_ =	shalt  }
0x63: {  	_ =	shalt  }
0x64: {  	_ =	shalt  }
0x65: {  	_ =	shalt  }
0x66: {  	_ =	shalt  }
0x67: {  	_ =	shalt  }
0x68: {  	_ =	shalt  }
0x69: {  	_ =	shalt  }
0x6a: {  	_ =	shalt  }
0x6b: {  	_ =	shalt  }
0x6c: {  	_ =	shalt  }
0x6d: {  	_ =	shalt  }
0x6e: {  	_ =	shalt  }
0x6f: {  	_ =	shalt  }
0x70: {  	_ =	shalt  }
0x71: {  	_ =	shalt  }
0x72: {  	_ =	shalt  }
0x73: {  	_ =	shalt  }
0x74: {  	_ =	shalt  }
0x75: {  	_ =	shalt  }
0x76: {  	_ =	shalt  }
0x77: {  	_ =	shalt  }
0x78: {  	_ =	shalt  }
0x79: {  	_ =	shalt  }
0x7a: {  	_ =	shalt  }
0x7b: {  	_ =	shalt  }
0x7c: {  	_ =	shalt  }
0x7d: {  	_ =	shalt  }
0x7e: {  	_ =	shalt  }
0x7f: {  	_ =	shalt  }
0x80: {  	_ =	shalt  }
0x81: {  	_ =	shalt  }
0x82: {  	_ =	shalt  }
0x83: {  	_ =	shalt  }
0x84: {  	_ =	shalt  }
0x85: {  	_ =	shalt  }
0x86: {  	_ =	shalt  }
0x87: {  	_ =	shalt  }
.Lfunc_end0:
.L_simem_size_0:
called_computation_lowered:
.L_overlay_start_0:
0x88: {  	s2 =	sld [smem:$0x3FD9]  }
0x89: {  	s3 =	sld [smem:$0x3FFE];
	_ =	sdelay $0x1  }
0x8a: {  	s1 =	srdreg.scid  }
0x8b: {  	s0 =	sand.u32 $0x1, s1  }
0x8c: {  	s17 =	sshll.u32 s0, $0xA;
	s2 =	sadd.s32 s3, s2  }
0x8d: {  	s2 =	sadd.s32 s2, s17  }
0x8e: {  	[smem:$0x3FC5] =	sst s2  }
0x8f: {  	_ = 	snop  }
0x90: {  	s2 =	sld [smem:$0x3FD0];
	(tm) =	ssettm $0x1  }
0x91: {  	s18 =	sld [smem:$0x3FFB];
	_ =	sdelay $0x3  }
0x92: {  	_ =	strace s18  }
0x93: {  	s3 =	sld [smem:$0x3FFC];
	_ =	sdelay $0x3  }
0x94: {  	_ =	strace s3  }
0x95: {  	s3 =	sld [smem:$0x3FFD];
	_ =	sdelay $0x3  }
0x96: {  	_ =	strace s3  }
0x97: {  	_ =	strace $0x8FFFFFFF  }
0x98: {  	s19 =	sld [smem:$0x3FDB];
	_ =	sdelay $0x1  }
0x99: {  	s4 =	simm.s32 $_scs_section_size  }
0x9a: {  	s5 =	simm.s32 $_size__tile_overlayer_lowered;
	s6 =	simm.s32 $_tile_overlayer_lowered  }
0x9b: {  	s22 =	simm.s32 $0x1BFF;
	s21 =	sshll.u32 s6, $0x1;
	s3 =	sadd.s32 s4, s19  }
0x9c: {  	s7 =	simm.s32 $0x0;
	s20 =	sshll.u32 s5, $0x1;
	s5 =	sadd.s32 s21, s3  }
0x9d: {  	[timem:s7], [sflag:s22] =	dma.local [hbm:s5], s20  }
0x9e: {  	_ =	swait.ge [sflag:s22], s20  }
0x9f: {  	s4 =	ssub.s32 $0x0, s20;
	[sflag:s22] =	ssyncset.done $0x0  }
0xa0: {  	[sflag:s22] =	ssyncadd.s32 s4;
	_ =	sdelay $0x1  }
0xa1: {  	s23 =	simm.s32 $0x1B8B  }
0xa2: {  	_ =	swait.ge [sflag:s23], $0x1  }
0xa3: {  	[sflag:s23] =	ssyncset.done $0x0  }
0xa4: {  	s25 =	simm.s32 $0x1B8E;
	s24 =	sld [smem:$0x3FFE];
	[sflag:s23] =	ssyncadd.s32 $0xFFFFFFFF  }
0xa5: {  	s26 =	simm.s32 $execute0_lowered;
	[smem:$0x3FD2] =	sst s25  }
0xa6: {  	s5 =	sshll.u32 s26, $0x1;
	_ =	strace $0x80000046;
	[dreg:$0x1] =	wrdreg $0xFFFFFFFF  }
0xa7: {  	s28 =	simm.s32 $_size_execute0_lowered;
	s3 =	sadd.s32 s3, s5;
	[dreg:$0x0] =	wrdreg $0x0  }
0xa8: {  	s5 =	sshll.u32 s28, $0x1;
	[dreg:$0x2] =	wrdreg s3  }
0xa9: {  	[dreg:$0x3] =	wrdreg s5  }
0xaa: {  	[dreg:$0x4] =	wrdreg $0xC0  }
0xab: {  	_ =	task [dreg:s7], $0x5FFFF  }
0xac: {  	[dreg:$0x1] =	wrdreg $0xFFFFFFFF  }
0xad: {  	[dreg:$0x0] =	wrdreg $0x60  }
0xae: {  	[dreg:$0x2] =	wrdreg s24  }
0xaf: {  	[dreg:$0x3] =	wrdreg s2  }
0xb0: {  	[dreg:$0x4] =	wrdreg $0x0  }
0xb1: {  	[dreg:$0x5] =	wrdreg $0x9  }
0xb2: {  	_ =	task.clear_ibuf [dreg:s7], $0x6FFFF;
	_ =	strace $0x90000046  }
0xb3: {  	s29 =	simm.s32 $0x9;
	_ =	strace $0x80000048  }
0xb4: {  	_ =	swait.ge [sflag:s29], $0x1  }
0xb5: {  	[sflag:s29] =	ssyncadd.s32 $0xFFFFFFFF  }
0xb6: {  	_ =	strace $0x90000048  }
0xb7: {  	_ =	sfence  }
0xb8: {  	s30 =	sld [smem:$0x0];
	_ =	sdelay $0x2  }
0xb9: {  	s31 =	sshll.u32 s1, $0xD;
	s1 =	sshrl.u32 s1, $0x2  }
0xba: {  	s3 =	sand.u32 $0x4000, s31;
	s1 =	sadd.s32 s1, s30  }
0xbb: {  	s0 =	sor.u32 s3, s0;
	s1 =	sshll.u32 s1, $0x11  }
0xbc: {  	s0 =	sor.u32 s1, s0  }
0xbd: {  	s0 =	sadd.s32 $0x8F2B, s0  }
0xbe: {  	[sflag:s0] =	ssyncadd.remote.s32 $0x1  }
0xbf: {  	_ =	sfence.sel $0xFFFF  }
0xc0: {  	[dreg:$0x0] =	wrdreg $0xFFFFFFFF;
	(pc) =	sbr.abs _section_cstart, $3  }
0xc1: {  	[dreg:$0x1] =	wrdreg $0xFFFFFFFF  }
0xc2: {  	_ =	task.clear_ibuf [dreg:s7], $0x2FFFF;
	_ =	strace $0x9FFFFFFF  }
0xc3: {  	(tm) =	ssettm $0x7FFFFFFF  }
tec
execute0_lowered:
.L_overlay_start_1:
0x0: {  	(tag) =	ssettag $0x1  }
0x1: {  	s5 =	rddreg [dreg:$0x0]  }
0x2: {  	s2 =	rddreg [dreg:$0x1]  }
0x3: {  	s3 =	rddreg [dreg:$0x2];
	s4 =	simm.s32 $0x0;
	s0 =	srdreg.scid  }
0x4: {  	s14 =	stileid.u32;
	s21 =	simm.s32 $0x140;
	s22 =	simm.s32 $0x2280  }
0x5: {  	s28 =	simm.s32 $0x2;
	s29 =	simm.s32 $0x2500;
	s31 =	simm.s32 $0x3  }
0x6: {  	s15 =	simm.s32 $0x8B80;
	s20 =	simm.s32 $0x8;
	[smem:$0x7FF] =	sst s4  }
0x7: {  	s6 =	sadd.s32 $0x1000, s5;
	s7 =	sadd.s32 $0x38A00, s5;
	s0 =	sand.u32 $0x1, s0  }
0x8: {  	s1 =	sshll.u32 s14, $0x1;
	s8 =	sadd.s32 $0x1A000, s5;
	s9 =	sshll.u32 s14, $0xB  }
0x9: {  	s23 =	sadd.s32 $0x18000, s3;
	s11 =	sadd.s32 $0x10000, s3;
	s24 =	sadd.s32 $0x8000, s3  }
0xa: {  	p0 =	sgt.s32 s14, $0x1;
	p1 =	seq.s32 s14, $0x0;
	s25 =	sshrl.u32 s3, $0x3  }
0xb: {  	p2 =	seq.s32 s14, $0x1;
	p3 =	seq.s32 s14, $0x2;
	p4 =	seq.s32 s14, $0x3  }
0xc: {  	s14 =	simm.s32 $0x12B80;
	_ =	strace $0x80000047;
	s17 =	ssub.s32 $0x2, s0  }
0xd: {  	s0 =	sor.u32 s0, s1;
	s19 =	sand.u32 $0x1800, s9;
	[dreg:$0x7] =	wrdreg s25  }
0xe: {  	s26 =	sshrl.u32 s24, $0x3;
	s30 =	sshrl.u32 s11, $0x3;
	s24 =	simm.s32 $0x4  }
0xf: {  	s25 =	simm.s32 $0xDB80;
	s11 =	simm.s32 $0x0;
	s10 =	smul.u32 $0xC80, s0  }
0x10: {  	s18 =	sshrl.u32 s17, $0x1;
	s9 =	smul.u32 $0x50, s0;
	[dreg:$0x8] =	wrdreg s26  }
0x11: {  	v0 =	vlaneseq.u32;
	[dreg:$0x9] =	wrdreg s30;
	s0 =	sshrl.u32 s23, $0x3;
	s26 =	simm.s32 $0x2140  }
0x12: {  	v2 =	vimm.s32 $0x141;
	vm0 =	vcmask $0xF00;
	v1 =	vand.u32 $0x7, v0;
	s23 =	simm.s32 $0x7;
	s1 =	ssub.s32 s17, s18;
	[dreg:$0xa] =	wrdreg s0  }
0x13: {  	vm14 =	vcmask $0x1F10;
	v2 =	vsel vm0, $0x0, v2;
	v1 =	vmul.u32 $0x100, v1;
	s0 =	simm.s32 $0x500;
	s18 =	simm.s32 $0x3B80;
	s12 =	sadd.s32 s6, s10  }
0x14: {  	vm15 =	vcmask $0x2F20;
	v3 =	vand.u32 $0x3, v0;
	v2 =	vsel vm14, $0x140, v2;
	s17 =	simm.s32 $0x5;
	s1 =	smax.u32 s1, $0x1;
	[dreg:$0x4] =	wrdreg s12  }
0x15: {  	v0 =	vor.u32 s19, v1;
	v1 =	vsel vm15, $0x1, v2;
	v2 =	vmul.u32 $0x8, v3;
	s13 =	sor.u32 $0x3, s9;
	s12 =	sadd.s32 $0x28, s12;
	[dreg:$0x6] =	wrdreg s1  }
0x16: {  	s10 =	simm.s32 $0x6;
	[dreg:$0x5] =	wrdreg s12;
	s12 =	sor.u32 $0x2, s9  }
.LBB2_1:
.Ltmp0:
0x17: {  	(pc) =	sbr.rel @p0 .LBB2_5-.Ltmp0, $2  }
0x18: {  	_ =	sdelay $0x2  }
0x19: {  	[dreg:$0xb] =	wrdreg s11  }
.Ltmp1:
0x1a: {  	(pc) =	sbr.rel @p1 .LBB2_8-.Ltmp1, $1  }
0x1b: {  	_ =	sdelay $0x3  }
.Ltmp2:
0x1c: {  	(pc) =	sbr.rel @!p2 .LBB2_11-.Ltmp2, $1  }
0x1d: {  	_ =	sdelay $0x3  }
.Ltmp3:
0x1e: {  	(pc) =	sbr.rel .LBB2_10-.Ltmp3, $4  }
0x1f: {  	_ = 	snop  }
0x20: {  	s1 =	rddreg [dreg:$0x0]  }
0x21: {  	s5 =	rddreg [dreg:$0x8];
	s11 =	simm.s32 $0x1C4B  }
0x22: {  	[spmem:s5], [sflag:s11] =	dma.local [hbm:s1], $0x1000  }
.LBB2_5:
.Ltmp4:
0x23: {  	(pc) =	sbr.rel @p3 .LBB2_9-.Ltmp4, $1  }
0x24: {  	_ =	sdelay $0x3  }
.Ltmp5:
0x25: {  	(pc) =	sbr.rel @!p4 .LBB2_11-.Ltmp5, $1  }
0x26: {  	_ =	sdelay $0x3  }
.Ltmp6:
0x27: {  	(pc) =	sbr.rel .LBB2_10-.Ltmp6, $4  }
0x28: {  	_ = 	snop  }
0x29: {  	s1 =	rddreg [dreg:$0x0]  }
0x2a: {  	s5 =	rddreg [dreg:$0xa];
	s11 =	simm.s32 $0x1CCB  }
0x2b: {  	[spmem:s5], [sflag:s11] =	dma.local [hbm:s1], $0x1000  }
.LBB2_8:
.Ltmp7:
0x2c: {  	(pc) =	sbr.rel .LBB2_10-.Ltmp7, $4  }
0x2d: {  	_ = 	snop  }
0x2e: {  	s1 =	rddreg [dreg:$0x0]  }
0x2f: {  	s5 =	rddreg [dreg:$0x7];
	s11 =	simm.s32 $0x1C0B  }
0x30: {  	[spmem:s5], [sflag:s11] =	dma.local [hbm:s1], $0x1000  }
.LBB2_9:
0x31: {  	s1 =	rddreg [dreg:$0x0]  }
0x32: {  	s5 =	rddreg [dreg:$0x9];
	s11 =	simm.s32 $0x1C8B  }
0x33: {  	[spmem:s5], [sflag:s11] =	dma.local [hbm:s1], $0x1000  }
.LBB2_10:
0x34: {  	s1 =	simm.s32 $0xB  }
0x35: {  	_ =	swait.ge [sflag:s1], $0x1000  }
0x36: {  	[sflag:s1] =	ssyncset.done $0x0  }
0x37: {  	[sflag:s1] =	ssyncadd.s32 $0xFFFFF000  }
.LBB2_11:
0x38: {  	[bflag:$0x0] =	sbarrier.arrive $0xFFFF;
	s11 =	simm.s32 $0x0  }
0x39: {  	s5 =	simm.s32 $0x2000;
	s19 =	simm.s32 $0xB;
	s1 =	rddreg [dreg:$0x4]  }
0x3a: {  	[tilespmem:s5], [sflag:$0xB] =	stream.linear.gather [hbm4b:s1+s11], $0x140, $0x38;
	[tilespmem:$0x17B80] =	vst v63  }
0x3b: {  	_ =	swait.ge [sflag:s19], $0x140  }
0x3c: {  	[sflag:s19] =	ssyncset.done $0x0  }
0x3d: {  	[sflag:s19] =	ssyncadd.s32 $0xFFFFFEC0  }
0x3e: {  	[tilespmem:s22], [sflag:$0x3] =	stream.indirect.gather [hbm4b:s7+s21], $0x1, s5, s21, $0xb8;
	[tilespmem:$0x17B80] =	vst v63  }
0x3f: {  	s16 =	simm.s32 $0x23C0  }
0x40: {  	[tilespmem:s16], [sflag:$0x3] =	stream.indirect.gather [hbm4b:s8+s21], $0x1, s5, s21, $0xb8;
	[tilespmem:$0x17B80] =	vst v63  }
0x41: {  	s30 =	simm.s32 $0x0;
	s19 =	rddreg [dreg:$0x5]  }
0x42: {  	[tilespmem:s26], [sflag:$0x2] =	stream.linear.gather [hbm4b:s19+s11], $0x140, $0x38;
	[tilespmem:$0x17B80] =	vst v63  }
.LBB2_12:
0x43: {  	_ =	swait.ge [sflag:s28], $0x140  }
0x44: {  	s5 =	sshll.u32 s30, $0x1;
	p5 =	seq.s32 s30, $0x27;
	[sflag:s28] =	ssyncset.done $0x0  }
0x45: {  	s1 =	sadd.s32 @!p5 s5, s12;
	[sflag:s28] =	ssyncadd.s32 $0xFFFFFEC0  }
0x46: {  	[tilespmem:s29], [sflag:$0x4] =	stream.indirect.gather [hbm4b:s7+s21], $0x1, s26, s21, $0xb8;
	[tilespmem:$0x17B80] =	vst v63  }
0x47: {  	s11 =	simm.s32 $0x2640;
	s1 =	smul.u32 @!p5 $0x28, s1  }
0x48: {  	[tilespmem:s11], [sflag:$0x4] =	stream.indirect.gather [hbm4b:s8+s21], $0x1, s26, s21, $0xb8;
	[tilespmem:$0x17B80] =	vst v63  }
0x49: {  	s16 =	simm.s32 @!p5 $0x2000;
	s1 =	sadd.s32 @!p5 s6, s1;
	s11 =	simm.s32 @!p5 $0x0  }
0x4a: {  	[tilespmem:s16], [sflag:$0x1] =	stream.linear.gather @!p5 [hbm4b:s1+s11], $0x140, $0x38;
	[tilespmem:$0x17B80] =	vst v63  }
0x4b: {  	s11 =	simm.s32 $0x0;
	_ =	swait.ge [sflag:s31], $0x140  }
0x4c: {  	v3 =	vadd.s32 s11, v1;
	[sflag:s31] =	ssyncset.done $0x0  }
0x4d: {  	[sflag:s31] =	ssyncadd.s32 $0xFFFFFEC0  }
0x4e: {  	_ =	swait.ge [sflag:s31], $0x140  }
0x4f: {  	[sflag:s31] =	ssyncset.done $0x0  }
0x50: {  	[sflag:s31] =	ssyncadd.s32 $0xFFFFFEC0  }
0x51: {  	v3 =	vld.idx.msk [tilespmem:v3+s22+$0x0], $0xffff;
	_ =	sdelay $0x2  }
0x52: {  	s16 =	simm.s32 $0x2  }
0x53: {  	v4 =	vadd.s32 s16, v1  }
0x54: {  	v3 =	vshra.s32 v3, v2  }
0x55: {  	v3 =	vand.u32 $0xFF, v3  }
0x56: {  	s1 =	simm.s32 $0x2780;
	v3 =	vor.u32 v0, v3  }
0x57: {  	[tilespmem:s1+$0x0] =	vst v3  }
0x58: {  	v4 =	vld.idx.msk [tilespmem:v4+s22+$0x0], $0xffff;
	_ =	sdelay $0x2  }
0x59: {  	s19 =	simm.s32 $0x4  }
0x5a: {  	s16 =	sshllo.u32 s30, $0x1;
	s11 =	simm.s32 $0x6;
	v3 =	vadd.s32 s19, v1  }
.LBB2_13:
0x5b: {  	p6 =	sne.s32 s11, $0x13E;
	v4 =	vshra.s32 v4, v2  }
0x5c: {  	v4 =	vand.u32 $0xFF, v4  }
0x5d: {  	s1 =	sadd.s32 $0x10, s1;
	v4 =	vor.u32 v0, v4  }
0x5e: {  	[tilespmem:s1+$0x0] =	vst v4  }
0x5f: {  	v4 =	vld.idx.msk [tilespmem:v3+s22+$0x0], $0xffff  }
.Ltmp8:
0x60: {  	(pc) =	sbr.rel @p6 .LBB2_13-.Ltmp8, $2  }
0x61: {  	_ =	sdelay $0x2  }
0x62: {  	v3 =	vadd.s32 s11, v1;
	s11 =	sadd.s32 $0x2, s11  }
0x63: {  	v4 =	vshra.s32 v4, v2  }
0x64: {  	v4 =	vand.u32 $0xFF, v4  }
0x65: {  	s1 =	sadd.s32 $0x10, s1;
	v4 =	vor.u32 v0, v4  }
0x66: {  	[tilespmem:s1+$0x0] =	vst v4  }
0x67: {  	v3 =	vld.idx.msk [tilespmem:v3+s22+$0x0], $0xffff;
	_ =	sdelay $0x4  }
0x68: {  	v3 =	vshra.s32 v3, v2  }
0x69: {  	v3 =	vand.u32 $0xFF, v3  }
0x6a: {  	p6 =	seq.s32 s30, $0x0;
	s1 =	sadd.s32 $0x10, s1;
	v3 =	vor.u32 v0, v3  }
0x6b: {  	[tilespmem:s1+$0x0] =	vst v3;
	s1 =	simm.s32 @!p6 $0x9  }
0x6c: {  	_ =	swait.ge @!p6 [sflag:s1], $0x5000  }
0x6d: {  	[sflag:s1] =	ssyncset.done @!p6 $0x0  }
0x6e: {  	[sflag:s1] =	ssyncadd.s32 @!p6 $0xFFFFB000  }
0x6f: {  	_ =	swait.ge @!p6 [sflag:s1], $0x5000  }
0x70: {  	[sflag:s1] =	ssyncset.done @!p6 $0x0  }
0x71: {  	s19 =	simm.s32 $0x2780;
	[sflag:s1] =	ssyncadd.s32 @!p6 $0xFFFFB000  }
0x72: {  	[tilespmem:s18], [sflag:$0x5] =	stream.indirect.gather [spmem:s3], $0x10, s19, s0, $0xb8;
	[tilespmem:$0x17B80] =	vst v63  }
0x73: {  	s11 =	simm.s32 $0x2C80;
	s19 =	sadd.s32 s9, s5  }
0x74: {  	[tilespmem:s15], [sflag:$0x7] =	stream.indirect.gather [spmem:s3], $0x10, s11, s0, $0xb8;
	[tilespmem:$0x17B80] =	vst v63  }
0x75: {  	s11 =	smul.u32 $0x1400, s19;
	_ =	swait.ge [sflag:s17], $0x5000  }
0x76: {  	[sflag:s17] =	ssyncset.done $0x0  }
0x77: {  	s1 =	smul.u32 $0xA000, s19;
	s11 =	sadd.s32 s2, s11;
	[sflag:s17] =	ssyncadd.s32 $0xFFFFB000  }
0x78: {  	[hbm4b:s11+s4] =	stream.linear.scatter [tilespmem:s18], [sflag:$0x9], $0x5000, $0x38;
	[tilespmem:$0x17B80] =	vst v63  }
0x79: {  	s1 =	sshrl.u32 s1, $0x3;
	_ =	swait.ge [sflag:s23], $0x5000  }
0x7a: {  	s1 =	sadd.s32 s2, s1;
	[sflag:s23] =	ssyncset.done $0x0  }
0x7b: {  	s1 =	sadd.s32 $0xA00, s1;
	[sflag:s23] =	ssyncadd.s32 $0xFFFFB000  }
0x7c: {  	[hbm4b:s1+s4] =	stream.linear.scatter [tilespmem:s15], [sflag:$0x9], $0x5000, $0x38;
	[tilespmem:$0x17B80] =	vst v63  }
0x7d: {  	s1 =	simm.s32 @!p5 $0x1  }
0x7e: {  	_ =	swait.ge @!p5 [sflag:s1], $0x140  }
0x7f: {  	s5 =	sadd.s32 @!p5 s5, s13;
	s19 =	simm.s32 @!p5 $0x2280;
	[sflag:s1] =	ssyncset.done @!p5 $0x0  }
0x80: {  	s11 =	simm.s32 @!p5 $0x2000;
	[sflag:s1] =	ssyncadd.s32 @!p5 $0xFFFFFEC0;
	s1 =	simm.s32 @!p5 $0x140  }
0x81: {  	[tilespmem:s19], [sflag:$0x3] =	stream.indirect.gather @!p5 [hbm4b:s7+s1], $0x1, s11, s1, $0xb8;
	[tilespmem:$0x17B80] =	vst v63  }
0x82: {  	s5 =	smul.u32 @!p5 $0x28, s5;
	s19 =	simm.s32 @!p5 $0x23C0  }
0x83: {  	[tilespmem:s19], [sflag:$0x3] =	stream.indirect.gather @!p5 [hbm4b:s8+s1], $0x1, s11, s1, $0xb8;
	[tilespmem:$0x17B80] =	vst v63  }
0x84: {  	s1 =	sadd.s32 @!p5 s6, s5;
	s5 =	simm.s32 @!p5 $0x0;
	s11 =	simm.s32 @!p5 $0x2140  }
0x85: {  	[tilespmem:s11], [sflag:$0x2] =	stream.linear.gather @!p5 [hbm4b:s1+s5], $0x140, $0x38;
	[tilespmem:$0x17B80] =	vst v63  }
0x86: {  	s5 =	simm.s32 $0x0;
	_ =	swait.ge [sflag:s24], $0x140  }
0x87: {  	v3 =	vadd.s32 s5, v1;
	[sflag:s24] =	ssyncset.done $0x0  }
0x88: {  	[sflag:s24] =	ssyncadd.s32 $0xFFFFFEC0  }
0x89: {  	_ =	swait.ge [sflag:s24], $0x140  }
0x8a: {  	[sflag:s24] =	ssyncset.done $0x0  }
0x8b: {  	[sflag:s24] =	ssyncadd.s32 $0xFFFFFEC0  }
0x8c: {  	v3 =	vld.idx.msk [tilespmem:v3+s29+$0x0], $0xffff;
	_ =	sdelay $0x2  }
0x8d: {  	s11 =	simm.s32 $0x2  }
0x8e: {  	v4 =	vadd.s32 s11, v1  }
0x8f: {  	v3 =	vshra.s32 v3, v2  }
0x90: {  	v3 =	vand.u32 $0xFF, v3  }
0x91: {  	s1 =	simm.s32 $0x3180;
	v3 =	vor.u32 v0, v3  }
0x92: {  	[tilespmem:s1+$0x0] =	vst v3  }
0x93: {  	v4 =	vld.idx.msk [tilespmem:v4+s29+$0x0], $0xffff;
	_ =	sdelay $0x2  }
0x94: {  	s19 =	simm.s32 $0x4  }
0x95: {  	s5 =	simm.s32 $0x6;
	v3 =	vadd.s32 s19, v1  }
.LBB2_15:
0x96: {  	p5 =	sne.s32 s5, $0x13E;
	v4 =	vshra.s32 v4, v2  }
0x97: {  	v4 =	vand.u32 $0xFF, v4  }
0x98: {  	s1 =	sadd.s32 $0x10, s1;
	v4 =	vor.u32 v0, v4  }
0x99: {  	[tilespmem:s1+$0x0] =	vst v4  }
0x9a: {  	v4 =	vld.idx.msk [tilespmem:v3+s29+$0x0], $0xffff  }
.Ltmp9:
0x9b: {  	(pc) =	sbr.rel @p5 .LBB2_15-.Ltmp9, $2  }
0x9c: {  	_ =	sdelay $0x2  }
0x9d: {  	v3 =	vadd.s32 s5, v1;
	s5 =	sadd.s32 $0x2, s5  }
0x9e: {  	v4 =	vshra.s32 v4, v2  }
0x9f: {  	v4 =	vand.u32 $0xFF, v4  }
0xa0: {  	s1 =	sadd.s32 $0x10, s1;
	v4 =	vor.u32 v0, v4  }
0xa1: {  	[tilespmem:s1+$0x0] =	vst v4  }
0xa2: {  	v3 =	vld.idx.msk [tilespmem:v3+s29+$0x0], $0xffff;
	_ =	sdelay $0x4  }
0xa3: {  	v3 =	vshra.s32 v3, v2  }
0xa4: {  	v3 =	vand.u32 $0xFF, v3  }
0xa5: {  	s1 =	sadd.s32 $0x10, s1;
	v3 =	vor.u32 v0, v3  }
0xa6: {  	[tilespmem:s1+$0x0] =	vst v3;
	s1 =	simm.s32 @!p6 $0xA  }
0xa7: {  	_ =	swait.ge @!p6 [sflag:s1], $0x5000  }
0xa8: {  	[sflag:s1] =	ssyncset.done @!p6 $0x0  }
0xa9: {  	[sflag:s1] =	ssyncadd.s32 @!p6 $0xFFFFB000  }
0xaa: {  	_ =	swait.ge @!p6 [sflag:s1], $0x5000  }
0xab: {  	[sflag:s1] =	ssyncset.done @!p6 $0x0  }
0xac: {  	s5 =	simm.s32 $0x3180;
	[sflag:s1] =	ssyncadd.s32 @!p6 $0xFFFFB000  }
0xad: {  	[tilespmem:s25], [sflag:$0x6] =	stream.indirect.gather [spmem:s3], $0x10, s5, s0, $0xb8;
	[tilespmem:$0x17B80] =	vst v63  }
0xae: {  	s11 =	simm.s32 $0x3680;
	s19 =	sadd.s32 s9, s16  }
0xaf: {  	[tilespmem:s14], [sflag:$0x8] =	stream.indirect.gather [spmem:s3], $0x10, s11, s0, $0xb8;
	[tilespmem:$0x17B80] =	vst v63  }
0xb0: {  	s30 =	sadd.s32 $0x1, s30;
	s5 =	smul.u32 $0x1400, s19;
	_ =	swait.ge [sflag:s10], $0x5000  }
0xb1: {  	p5 =	sne.s32 s30, $0x28;
	[sflag:s10] =	ssyncset.done $0x0  }
0xb2: {  	s1 =	smul.u32 $0xA000, s19;
	s5 =	sadd.s32 s2, s5;
	[sflag:s10] =	ssyncadd.s32 $0xFFFFB000  }
0xb3: {  	[hbm4b:s5+s4] =	stream.linear.scatter [tilespmem:s25], [sflag:$0xA], $0x5000, $0x38;
	[tilespmem:$0x17B80] =	vst v63  }
.Ltmp10:
0xb4: {  	_ = 	snop;
	(pc) =	sbr.rel @p5 .LBB2_12-.Ltmp10, $4  }
0xb5: {  	s1 =	sshrl.u32 s1, $0x3;
	_ =	swait.ge [sflag:s20], $0x5000  }
0xb6: {  	s1 =	sadd.s32 s2, s1;
	[sflag:s20] =	ssyncset.done $0x0  }
0xb7: {  	s1 =	sadd.s32 $0xA00, s1;
	[sflag:s20] =	ssyncadd.s32 $0xFFFFB000  }
0xb8: {  	[hbm4b:s1+s4] =	stream.linear.scatter [tilespmem:s14], [sflag:$0xA], $0x5000, $0x38;
	[tilespmem:$0x17B80] =	vst v63  }
0xb9: {  	s1 =	simm.s32 $0x9  }
0xba: {  	_ =	swait.ge [sflag:s1], $0x5000  }
0xbb: {  	[sflag:s1] =	ssyncset.done $0x0  }
0xbc: {  	[sflag:s1] =	ssyncadd.s32 $0xFFFFB000  }
0xbd: {  	_ =	swait.ge [sflag:s1], $0x5000  }
0xbe: {  	[sflag:s1] =	ssyncset.done $0x0  }
0xbf: {  	s5 =	simm.s32 $0xA;
	[sflag:s1] =	ssyncadd.s32 $0xFFFFB000  }
0xc0: {  	_ =	swait.ge [sflag:s5], $0x5000  }
0xc1: {  	[sflag:s5] =	ssyncset.done $0x0  }
0xc2: {  	[sflag:s5] =	ssyncadd.s32 $0xFFFFB000  }
0xc3: {  	_ =	swait.ge [sflag:s5], $0x5000  }
0xc4: {  	s11 =	rddreg [dreg:$0xb]  }
0xc5: {  	s30 =	rddreg [dreg:$0x6];
	s11 =	sadd.s32 $0x1, s11  }
0xc6: {  	p5 =	sne.s32 s11, s30  }
.Ltmp11:
0xc7: {  	_ = 	snop;
	(pc) =	sbr.rel @p5 .LBB2_1-.Ltmp11, $3  }
0xc8: {  	_ =	sdelay $0x1  }
0xc9: {  	[sflag:s5] =	ssyncset.done $0x0  }
0xca: {  	[sflag:s5] =	ssyncadd.s32 $0xFFFFB000  }
0xcb: {  	_ =	sfence.sel $0x180000  }
0xcc: {  	[bflag:$0x0] =	sbarrier.arrive $0xFFFF  }
0xcd: {  	_ =	strace $0x90000047  }
0xce: {  	s0 =	stileid.u32;
	[bflag:$0x2] =	sbarrier.arrive $0xFFFF  }
0xcf: {  	p0 =	sne.s32 s0, $0x0;
	s0 =	rddreg [dreg:$0x3]  }
0xd0: {  	s0 =	sadd.s32 @!p0 $0x100000, s0  }
0xd1: {  	[sflag:s0] =	ssyncadd.tile.s32 @!p0 $0x1;
	_ =	shalt  }
.Lfunc_end2:
_tile_overlayer_lowered:
.L_overlay_start_2:
0xd2: {  	(tag) =	ssettag $0x2  }
0xd3: {  	s0 =	rddreg [dreg:$0x0];
	s2 =	stileid.u32  }
0xd4: {  	s1 =	rddreg [dreg:$0x1];
	p0 =	sne.s32 s2, $0x0  }
0xd5: {  	s3 =	rddreg [dreg:$0x2];
	[bflag:$0x3] =	sbarrier.arrive $0xFFFF;
	s2 =	simm.s32 @!p0 $0x1C0B  }
0xd6: {  	[timem:s3], [sflag:s2] =	dma.local @!p0 [hbm:s0], s1  }
0xd7: {  	s0 =	simm.s32 @!p0 $0xB  }
0xd8: {  	_ =	swait.ge @!p0 [sflag:s0], s1  }
0xd9: {  	s1 =	ssub.s32 @!p0 $0x0, s1;
	[sflag:s0] =	ssyncset.done @!p0 $0x0  }
0xda: {  	[sflag:s0] =	ssyncadd.s32 @!p0 s1  }
0xdb: {  	[bflag:$0x3] =	sbarrier.arrive $0xFFFF  }
0xdc: {  	_ =	shalt  }

</sc_bundles>
